<compile_context>
chip_gen: v7x
topology: tpu7x:2x2x1
jax: 0.10.2.dev20260603
libtpu: 0.0.44.dev20260713+nightly
codegen_flags: <defaults>
</compile_context>

<pallas_src>
import jax
import jax.numpy as jnp
from jax import lax
from jax.experimental import pallas as pl
from jax.experimental.pallas import tpu as pltpu
from jax.experimental.pallas import tpu_sc as plsc

N_SEG = 10000
E = 320000
D = 128
NV = D // 16

SC_SEG = 7440
TC_SEG = N_SEG - SC_SEG
TC_TILE = 128
TC_GRID = TC_SEG // TC_TILE
TC_CHUNK = 512
TC_NBUF = 8

NW = 32
NW_BIG = 2
SEG_A = 240
SEG_B = 232
CHUNK = 320
ILEN = 256


def _sc_body(x_hbm, iptr_hbm, out_hbm, iptr_v, rowbuf, outbuf, sems):
    cid = lax.axis_index("c")
    sid = lax.axis_index("s")
    w = sid * 2 + cid
    seg_lo = w * SEG_B + 8 * jnp.minimum(w, NW_BIG)
    nseg = jnp.where(w < NW_BIG, SEG_A, SEG_B)
    pltpu.sync_copy(iptr_hbm.at[pl.ds(seg_lo, ILEN)], iptr_v)

    row_lo = iptr_v[pl.ds(0, 16)][0]
    row_hi = iptr_v[pl.ds(nseg, 16)][0]
    start0 = jnp.minimum((row_lo // 8) * 8, E - CHUNK)
    nchunks = jnp.maximum((row_hi - start0 + CHUNK - 1) // CHUNK, 1)

    def chunk_start(c):
        return jnp.minimum(start0 + c * CHUNK, E - CHUNK)

    def dma(c):
        b = lax.rem(c, 2)
        return pltpu.make_async_copy(
            x_hbm.at[pl.ds(chunk_start(c), CHUNK)], rowbuf.at[b], sems.at[b])

    dma(jnp.int32(0)).start()

    @pl.when(nchunks > 1)
    def _():
        dma(jnp.int32(1)).start()

    dma(jnp.int32(0)).wait()

    zeros = tuple(jnp.zeros((16,), jnp.float32) for _ in range(NV))

    nsteps = nseg + nchunks - 1

    def step(_, st):
        r, s_cur, c = st[0], st[1], st[2]
        accs = st[3:]
        bounds = iptr_v[pl.ds(s_cur, 16)]
        lo = bounds[0]
        hi = bounds[1]
        r_end = jnp.minimum(row_hi, start0 + (c + 1) * CHUNK)
        run_end = jnp.minimum(hi, r_end)
        b = lax.rem(c, 2)
        sc = chunk_start(c)

        def row_body(rr, a):
            o = rr - sc
            return tuple(a[j] + rowbuf[b, o, pl.ds(j * 16, 16)]
                         for j in range(NV))

        accs = plsc.parallel_loop(r, run_end, unroll=4,
                                  carry=accs)(row_body)

        fin = hi <= r_end

        @pl.when(fin)
        def _():
            nvec = jnp.full((16,), 1.0, jnp.float32) * (
                jnp.maximum(hi - lo, 1).astype(jnp.float32))
            scale = jnp.full((16,), 1.0, jnp.float32) / nvec
            for j in range(NV):
                outbuf[s_cur, pl.ds(j * 16, 16)] = accs[j] * scale

        @pl.when(jnp.logical_not(fin))
        def _():
            dma(c + 1).wait()

            @pl.when(c + 2 < nchunks)
            def _():
                dma(c + 2).start()

        s_next = jnp.where(fin, s_cur + 1, s_cur)
        c_next = jnp.where(fin, c, c + 1)
        accs = tuple(
            jnp.where(fin, jnp.zeros((16,), jnp.float32), a)
            for a in accs)
        return (run_end, s_next, c_next) + accs

    lax.fori_loop(0, nsteps, step,
                  (row_lo, jnp.int32(0), jnp.int32(0)) + zeros)

    @pl.when(w < NW_BIG)
    def _():
        pltpu.sync_copy(outbuf.at[pl.ds(0, SEG_A)],
                        out_hbm.at[pl.ds(seg_lo, SEG_A)])

    @pl.when(w >= NW_BIG)
    def _():
        pltpu.sync_copy(outbuf.at[pl.ds(0, SEG_B)],
                        out_hbm.at[pl.ds(seg_lo, SEG_B)])


def _sc_means(x, iptr):
    mesh = plsc.VectorSubcoreMesh(core_axis_name="c", subcore_axis_name="s")
    f = pl.kernel(
        _sc_body,
        mesh=mesh,
        out_type=jax.ShapeDtypeStruct((SC_SEG, D), jnp.float32),
        scratch_types=[
            pltpu.VMEM((ILEN,), jnp.int32),
            pltpu.VMEM((2, CHUNK, D), jnp.float32),
            pltpu.VMEM((SEG_A, D), jnp.float32),
            pltpu.SemaphoreType.DMA((2,)),
        ],
    )
    return f(x, iptr)


def _tc_body(x_hbm, lo_ref, hi_ref, o_ref, rowbuf, sems):
    lo_vec = lo_ref[0, 0]
    hi_vec = hi_ref[0, 0]
    lo_t = lo_vec[0]
    hi_t = hi_vec[TC_TILE - 1]
    base = jnp.minimum((lo_t // 8) * 8, E - TC_CHUNK)
    nch = jnp.maximum((hi_t - base + TC_CHUNK - 1) // TC_CHUNK, 0)
    nquad = (nch + 3) // 4
    nissue = 4 * nquad

    def dma(c):
        b = lax.rem(c, TC_NBUF)
        st = jnp.minimum(base + c * TC_CHUNK, E - TC_CHUNK)
        return pltpu.make_async_copy(
            x_hbm.at[pl.ds(st, TC_CHUNK)], rowbuf.at[b], sems.at[b])

    for k in range(6):
        @pl.when(k < nissue)
        def _(k=k):
            dma(jnp.int32(k)).start()

    def chunk(c, acc):
        b = lax.rem(c, TC_NBUF)
        canon_lo = base + c * TC_CHUNK
        st = jnp.minimum(canon_lo, E - TC_CHUNK)
        dma(c).wait()

        @pl.when(c + 6 < nissue)
        def _():
            dma(c + 6).start()

        rows = rowbuf[b]
        riota = st + lax.broadcasted_iota(jnp.int32, (TC_CHUNK, 1), 0)
        lo_eff = jnp.maximum(lo_vec, canon_lo)
        member = (riota >= lo_eff[None, :]) & (riota < hi_vec[None, :])
        pmat = member.astype(jnp.bfloat16)
        return acc + lax.dot_general(
            pmat, rows.astype(jnp.bfloat16), (((0,), (0,)), ((), ())),
            preferred_element_type=jnp.float32)

    def quad(i, accs):
        return tuple(chunk(4 * i + k, accs[k]) for k in range(4))

    zacc = jnp.zeros((TC_TILE, D), jnp.float32)
    a1, a2, a3, a4 = lax.fori_loop(0, nquad, quad, (zacc,) * 4)
    acc = (a1 + a2) + (a3 + a4)
    denom = jnp.maximum((hi_vec - lo_vec).astype(jnp.float32), 1.0)
    o_ref[...] = acc / denom[:, None]


def _tc_means(x, iptr):
    lo3 = lax.slice(iptr, (SC_SEG,), (N_SEG,)).reshape(TC_GRID, 1, TC_TILE)
    hi3 = lax.slice(iptr, (SC_SEG + 1,), (N_SEG + 1,)).reshape(
        TC_GRID, 1, TC_TILE)
    return pl.pallas_call(
        _tc_body,
        grid=(TC_GRID,),
        in_specs=[
            pl.BlockSpec(memory_space=pl.ANY),
            pl.BlockSpec((1, 1, TC_TILE), lambda t: (t, 0, 0)),
            pl.BlockSpec((1, 1, TC_TILE), lambda t: (t, 0, 0)),
        ],
        out_specs=pl.BlockSpec((TC_TILE, D), lambda t: (t, 0)),
        out_shape=jax.ShapeDtypeStruct((TC_SEG, D), jnp.float32),
        scratch_shapes=[
            pltpu.VMEM((TC_NBUF, TC_CHUNK, D), jnp.float32),
            pltpu.SemaphoreType.DMA((TC_NBUF,)),
        ],
    )(x, lo3, hi3)


def kernel(x, indptr):
    iptr = indptr.astype(jnp.int32)
    sc_out = _sc_means(x, iptr)
    tc_out = _tc_means(x, iptr)
    return jnp.concatenate([sc_out, tc_out], axis=0)

# --- scband reference (transcript-rebuilt; emitter-appended) ---
"""Pipeline reference for scband-segment-csr-76940044140760 (READ-ONLY COPY).

The authoritative reference and input builder live on the scoring server;
editing this copy changes nothing except your own understanding.
"""

import jax, jax.numpy as jnp
import numpy as np

N_SEG = 10000
E = 320000
D = 128


def setup_inputs(seed: int = 0) -> dict:
    key = jax.random.key(seed)
    k1, k2 = jax.random.split(key)
    x = jax.random.normal(k1, (E, D), dtype=jnp.float32)
    # CSR indptr: sorted boundaries with indptr[0]=0 and indptr[-1]=E
    indptr = jnp.sort(jax.random.randint(k2, (N_SEG + 1,), 0, E))
    indptr = indptr.at[0].set(0).at[-1].set(E)
    return {"x": x, "indptr": indptr}


def reference(x, indptr):
    # segment_mean_csr: for each segment s, mean of x[indptr[s]:indptr[s+1]]
    counts = indptr[1:] - indptr[:-1]
    seg_ids = jnp.repeat(jnp.arange(N_SEG), counts, total_repeat_length=E)
    sums = jax.ops.segment_sum(x, seg_ids, num_segments=N_SEG)
    denom = jnp.clip(counts, 1).astype(x.dtype)[:, None]
    return sums / denom

if __name__ == "__main__":
    import jax
    _d = setup_inputs()
    print(jax.jit(kernel)(*tuple(_d.values())))

</pallas_src>

<mosaic_0001>
#map = affine_map<(d0, d1) -> (0, 0)>
#map1 = affine_map<(d0, d1) -> (0)>
module attributes {stable_mosaic.version = 14 : i64} {
  func.func @_sc_body(%arg0: i32, %arg1: i32, %arg2: memref<320000x128xf32, #tpu.memory_space<hbm>>, %arg3: memref<10001xi32, #tpu.memory_space<hbm>>, %arg4: memref<7440x128xf32, #tpu.memory_space<hbm>>, %arg5: memref<256xi32, #tpu.memory_space<vmem>>, %arg6: memref<2x320x128xf32, #tpu.memory_space<vmem>>, %arg7: memref<240x128xf32, #tpu.memory_space<vmem>>, %arg8: memref<2x!tpu.dma_semaphore, #tpu.memory_space<semaphore_mem>>) attributes {dimension_semantics = [#tpu.dimension_semantics<core_parallel>, #tpu.dimension_semantics<subcore_parallel>], iteration_bounds = array<i64: 2, 16>, scalar_prefetch = 0 : i64, scratch_operands = 4 : i64, tpu.core_type = #tpu.core_type<sc_vector_subcore>, window_params = [{transform_indices = #map}, {transform_indices = #map1}, {transform_indices = #map}]} {
    %mul3A = arith.constant 2 : i32
    %mul3A_0 = arith.muli %arg1, %mul3A : i32
    %add3A = arith.addi %mul3A_0, %arg0 : i32
    %mul3A_1 = arith.constant 232 : i32
    %mul3A_2 = arith.muli %add3A, %mul3A_1 : i32
    %min3A = arith.constant 2 : i32
    %min3A_3 = arith.minsi %add3A, %min3A : i32
    %mul3A_4 = arith.constant 8 : i32
    %mul3A_5 = arith.muli %mul3A_4, %min3A_3 : i32
    %add3A_6 = arith.addi %mul3A_2, %mul3A_5 : i32
    %lt3A = arith.constant 2 : i32
    %lt3A_7 = arith.cmpi slt, %add3A, %lt3A : i32
    %jit3A = arith.constant 240 : i32
    %jit3A_8 = arith.constant 232 : i32
    %select_n3A = arith.select %lt3A_7, %jit3A, %jit3A_8 : i32
    "tpu.region"() ({
      %run_scoped3A = tpu.sem_alloc : memref<!tpu.dma_semaphore, #tpu.memory_space<semaphore_mem>>
      %dma_start3A_153 = tpu.memref_slice %arg3[%add3A_6] : memref<10001xi32, #tpu.memory_space<hbm>> -> memref<256xi32, #tpu.memory_space<hbm>>
      %dma_start3A_154 = tpu.memref_slice %arg3[%add3A_6] : memref<10001xi32, #tpu.memory_space<hbm>> -> memref<256xi32, #tpu.memory_space<hbm>>
      tpu.enqueue_dma source(%dma_start3A_154 : memref<256xi32, #tpu.memory_space<hbm>>) target(%arg5 : memref<256xi32, #tpu.memory_space<vmem>>) target_semaphore(%run_scoped3A : memref<!tpu.dma_semaphore, #tpu.memory_space<semaphore_mem>>)
      %dma_wait3A_155 = tpu.memref_slice %arg3[%add3A_6] : memref<10001xi32, #tpu.memory_space<hbm>> -> memref<256xi32, #tpu.memory_space<hbm>>
      %dma_wait3A_156 = tpu.memref_slice %arg3[%add3A_6] : memref<10001xi32, #tpu.memory_space<hbm>> -> memref<256xi32, #tpu.memory_space<hbm>>
      tpu.wait_dma2 semaphore(%run_scoped3A : memref<!tpu.dma_semaphore, #tpu.memory_space<semaphore_mem>>) src(%dma_wait3A_156 : memref<256xi32, #tpu.memory_space<hbm>>) dst(%arg5 : memref<256xi32, #tpu.memory_space<vmem>>)
      tpu.yield
    }) : () -> ()
    %get3A = arith.constant 0 : index
    %get3A_9 = tpu.vector_load %arg5[%get3A] {strides = array<i32>} : memref<256xi32, #tpu.memory_space<vmem>>, vector<16xi32>,
    %get3A_10 = vector.shape_cast %get3A_9 : vector<16xi32> to vector<16xi32>
    %slice3A = vector.extract_strided_slice %get3A_10 {offsets = [0], sizes = [1], strides = [1]} : vector<16xi32> to vector<1xi32>
    %squeeze3A = vector.extract %slice3A[0] : i32 from vector<1xi32>
    %get3A_11 = arith.index_cast %select_n3A : i32 to index
    %get3A_12 = tpu.vector_load %arg5[%get3A_11] {strides = array<i32>} : memref<256xi32, #tpu.memory_space<vmem>>, vector<16xi32>,
    %get3A_13 = vector.shape_cast %get3A_12 : vector<16xi32> to vector<16xi32>
    %slice3A_14 = vector.extract_strided_slice %get3A_13 {offsets = [0], sizes = [1], strides = [1]} : vector<16xi32> to vector<1xi32>
    %squeeze3A_15 = vector.extract %slice3A_14[0] : i32 from vector<1xi32>
    %jit3A_16 = arith.constant 8 : i32
    %div3A = arith.divsi %squeeze3A, %jit3A_16 : i32
    %sign3A = arith.constant 0 : i32
    %sign3A_17 = arith.cmpi sgt, %squeeze3A, %sign3A : i32
    %sign3A_18 = arith.extui %sign3A_17 : i1 to i32
    %sign3A_19 = arith.constant 0 : i32
    %sign3A_20 = arith.cmpi slt, %squeeze3A, %sign3A_19 : i32
    %sign3A_21 = arith.extui %sign3A_20 : i1 to i32
    %sign3A_22 = arith.subi %sign3A_18, %sign3A_21 : i32
    %sign3A_23 = arith.constant 0 : i32
    %sign3A_24 = arith.cmpi sgt, %jit3A_16, %sign3A_23 : i32
    %sign3A_25 = arith.extui %sign3A_24 : i1 to i32
    %sign3A_26 = arith.constant 0 : i32
    %sign3A_27 = arith.cmpi slt, %jit3A_16, %sign3A_26 : i32
    %sign3A_28 = arith.extui %sign3A_27 : i1 to i32
    %sign3A_29 = arith.subi %sign3A_25, %sign3A_28 : i32
    %ne3A = arith.cmpi ne, %sign3A_22, %sign3A_29 : i32
    %rem3A = arith.remsi %squeeze3A, %jit3A_16 : i32
    %ne3A_30 = arith.constant 0 : i32
    %ne3A_31 = arith.cmpi ne, %rem3A, %ne3A_30 : i32
    %and3A = arith.andi %ne3A, %ne3A_31 : i1
    %sub3A = arith.constant 1 : i32
    %sub3A_32 = arith.subi %div3A, %sub3A : i32
    %select_n3A_33 = arith.select %and3A, %sub3A_32, %div3A : i32
    %mul3A_34 = arith.constant 8 : i32
    %mul3A_35 = arith.muli %select_n3A_33, %mul3A_34 : i32
    %min3A_36 = arith.constant 319680 : i32
    %min3A_37 = arith.minsi %mul3A_35, %min3A_36 : i32
    %sub3A_38 = arith.subi %squeeze3A_15, %min3A_37 : i32
    %add3A_39 = arith.constant 320 : i32
    %add3A_40 = arith.addi %sub3A_38, %add3A_39 : i32
    %sub3A_41 = arith.constant 1 : i32
    %sub3A_42 = arith.subi %add3A_40, %sub3A_41 : i32
    %jit3A_43 = arith.constant 320 : i32
    %div3A_44 = arith.divsi %sub3A_42, %jit3A_43 : i32
    %sign3A_45 = arith.constant 0 : i32
    %sign3A_46 = arith.cmpi sgt, %sub3A_42, %sign3A_45 : i32
    %sign3A_47 = arith.extui %sign3A_46 : i1 to i32
    %sign3A_48 = arith.constant 0 : i32
    %sign3A_49 = arith.cmpi slt, %sub3A_42, %sign3A_48 : i32
    %sign3A_50 = arith.extui %sign3A_49 : i1 to i32
    %sign3A_51 = arith.subi %sign3A_47, %sign3A_50 : i32
    %sign3A_52 = arith.constant 0 : i32
    %sign3A_53 = arith.cmpi sgt, %jit3A_43, %sign3A_52 : i32
    %sign3A_54 = arith.extui %sign3A_53 : i1 to i32
    %sign3A_55 = arith.constant 0 : i32
    %sign3A_56 = arith.cmpi slt, %jit3A_43, %sign3A_55 : i32
    %sign3A_57 = arith.extui %sign3A_56 : i1 to i32
    %sign3A_58 = arith.subi %sign3A_54, %sign3A_57 : i32
    %ne3A_59 = arith.cmpi ne, %sign3A_51, %sign3A_58 : i32
    %rem3A_60 = arith.remsi %sub3A_42, %jit3A_43 : i32
    %ne3A_61 = arith.constant 0 : i32
    %ne3A_62 = arith.cmpi ne, %rem3A_60, %ne3A_61 : i32
    %and3A_63 = arith.andi %ne3A_59, %ne3A_62 : i1
    %sub3A_64 = arith.constant 1 : i32
    %sub3A_65 = arith.subi %div3A_44, %sub3A_64 : i32
    %select_n3A_66 = arith.select %and3A_63, %sub3A_65, %div3A_44 : i32
    %max3A = arith.constant 1 : i32
    %max3A_67 = arith.maxsi %select_n3A_66, %max3A : i32
    %rem3A_68 = arith.constant 0 : i32
    %rem3A_69 = arith.constant 2 : i32
    %rem3A_70 = arith.remsi %rem3A_68, %rem3A_69 : i32
    %mul3A_71 = arith.constant 0 : i32
    %mul3A_72 = arith.constant 320 : i32
    %mul3A_73 = arith.muli %mul3A_71, %mul3A_72 : i32
    %add3A_74 = arith.addi %min3A_37, %mul3A_73 : i32
    %min3A_75 = arith.constant 319680 : i32
    %min3A_76 = arith.minsi %add3A_74, %min3A_75 : i32
    %dma_start3A = arith.constant 0 : i32
    %dma_start3A_77 = arith.constant 0 : i32
    %dma_start3A_78 = tpu.memref_slice %arg6[%rem3A_70, %dma_start3A, %dma_start3A_77] : memref<2x320x128xf32, #tpu.memory_space<vmem>> -> memref<1x320x128xf32, #tpu.memory_space<vmem>>
    %dma_start3A_79 = tpu.memref_squeeze %dma_start3A_78 : memref<1x320x128xf32, #tpu.memory_space<vmem>> -> memref<320x128xf32, #tpu.memory_space<vmem>>
    %dma_start3A_80 = arith.constant 0 : i32
    %dma_start3A_81 = tpu.memref_slice %arg2[%min3A_76, %dma_start3A_80] : memref<320000x128xf32, #tpu.memory_space<hbm>> -> memref<320x128xf32, #tpu.memory_space<hbm>>
    %dma_start3A_82 = tpu.memref_slice %arg8[%rem3A_70] : memref<2x!tpu.dma_semaphore, #tpu.memory_space<semaphore_mem>> -> memref<1x!tpu.dma_semaphore, #tpu.memory_space<semaphore_mem>>
    %dma_start3A_83 = tpu.memref_squeeze %dma_start3A_82 : memref<1x!tpu.dma_semaphore, #tpu.memory_space<semaphore_mem>> -> memref<!tpu.dma_semaphore, #tpu.memory_space<semaphore_mem>>
    %dma_start3A_84 = arith.constant 0 : i32
    %dma_start3A_85 = arith.constant 0 : i32
    %dma_start3A_86 = tpu.memref_slice %arg6[%rem3A_70, %dma_start3A_84, %dma_start3A_85] : memref<2x320x128xf32, #tpu.memory_space<vmem>> -> memref<1x320x128xf32, #tpu.memory_space<vmem>>
    %dma_start3A_87 = tpu.memref_squeeze %dma_start3A_86 : memref<1x320x128xf32, #tpu.memory_space<vmem>> -> memref<320x128xf32, #tpu.memory_space<vmem>>
    %dma_start3A_88 = arith.constant 0 : i32
    %dma_start3A_89 = tpu.memref_slice %arg2[%min3A_76, %dma_start3A_88] : memref<320000x128xf32, #tpu.memory_space<hbm>> -> memref<320x128xf32, #tpu.memory_space<hbm>>
    tpu.enqueue_dma source(%dma_start3A_89 : memref<320x128xf32, #tpu.memory_space<hbm>>) target(%dma_start3A_87 : memref<320x128xf32, #tpu.memory_space<vmem>>) target_semaphore(%dma_start3A_83 : memref<!tpu.dma_semaphore, #tpu.memory_space<semaphore_mem>>)
    %gt3A = arith.constant 1 : i32
    %gt3A_90 = arith.cmpi sgt, %max3A_67, %gt3A : i32
    %convert_element_type3A = arith.extui %gt3A_90 : i1 to i32
    %cond3A = arith.constant 0 : i32
    %cond3A_91 = arith.cmpi ne, %convert_element_type3A, %cond3A : i32
    scf.if %cond3A_91 {
      %rem3A_153 = arith.constant 1 : i32
      %rem3A_154 = arith.constant 2 : i32
      %rem3A_155 = arith.remsi %rem3A_153, %rem3A_154 : i32
      %mul3A_156 = arith.constant 1 : i32
      %mul3A_157 = arith.constant 320 : i32
      %mul3A_158 = arith.muli %mul3A_156, %mul3A_157 : i32
      %add3A_159 = arith.addi %min3A_37, %mul3A_158 : i32
      %min3A_160 = arith.constant 319680 : i32
      %min3A_161 = arith.minsi %add3A_159, %min3A_160 : i32
      %dma_start3A_162 = arith.constant 0 : i32
      %dma_start3A_163 = arith.constant 0 : i32
      %dma_start3A_164 = tpu.memref_slice %arg6[%rem3A_155, %dma_start3A_162, %dma_start3A_163] : memref<2x320x128xf32, #tpu.memory_space<vmem>> -> memref<1x320x128xf32, #tpu.memory_space<vmem>>
      %dma_start3A_165 = tpu.memref_squeeze %dma_start3A_164 : memref<1x320x128xf32, #tpu.memory_space<vmem>> -> memref<320x128xf32, #tpu.memory_space<vmem>>
      %dma_start3A_166 = arith.constant 0 : i32
      %dma_start3A_167 = tpu.memref_slice %arg2[%min3A_161, %dma_start3A_166] : memref<320000x128xf32, #tpu.memory_space<hbm>> -> memref<320x128xf32, #tpu.memory_space<hbm>>
      %dma_start3A_168 = tpu.memref_slice %arg8[%rem3A_155] : memref<2x!tpu.dma_semaphore, #tpu.memory_space<semaphore_mem>> -> memref<1x!tpu.dma_semaphore, #tpu.memory_space<semaphore_mem>>
      %dma_start3A_169 = tpu.memref_squeeze %dma_start3A_168 : memref<1x!tpu.dma_semaphore, #tpu.memory_space<semaphore_mem>> -> memref<!tpu.dma_semaphore, #tpu.memory_space<semaphore_mem>>
      %dma_start3A_170 = arith.constant 0 : i32
      %dma_start3A_171 = arith.constant 0 : i32
      %dma_start3A_172 = tpu.memref_slice %arg6[%rem3A_155, %dma_start3A_170, %dma_start3A_171] : memref<2x320x128xf32, #tpu.memory_space<vmem>> -> memref<1x320x128xf32, #tpu.memory_space<vmem>>
      %dma_start3A_173 = tpu.memref_squeeze %dma_start3A_172 : memref<1x320x128xf32, #tpu.memory_space<vmem>> -> memref<320x128xf32, #tpu.memory_space<vmem>>
      %dma_start3A_174 = arith.constant 0 : i32
      %dma_start3A_175 = tpu.memref_slice %arg2[%min3A_161, %dma_start3A_174] : memref<320000x128xf32, #tpu.memory_space<hbm>> -> memref<320x128xf32, #tpu.memory_space<hbm>>
      tpu.enqueue_dma source(%dma_start3A_175 : memref<320x128xf32, #tpu.memory_space<hbm>>) target(%dma_start3A_173 : memref<320x128xf32, #tpu.memory_space<vmem>>) target_semaphore(%dma_start3A_169 : memref<!tpu.dma_semaphore, #tpu.memory_space<semaphore_mem>>)
    } else {
    }
    %rem3A_92 = arith.constant 0 : i32
    %rem3A_93 = arith.constant 2 : i32
    %rem3A_94 = arith.remsi %rem3A_92, %rem3A_93 : i32
    %mul3A_95 = arith.constant 0 : i32
    %mul3A_96 = arith.constant 320 : i32
    %mul3A_97 = arith.muli %mul3A_95, %mul3A_96 : i32
    %add3A_98 = arith.addi %min3A_37, %mul3A_97 : i32
    %min3A_99 = arith.constant 319680 : i32
    %min3A_100 = arith.minsi %add3A_98, %min3A_99 : i32
    %dma_wait3A = arith.constant 0 : i32
    %dma_wait3A_101 = arith.constant 0 : i32
    %dma_wait3A_102 = tpu.memref_slice %arg6[%rem3A_94, %dma_wait3A, %dma_wait3A_101] : memref<2x320x128xf32, #tpu.memory_space<vmem>> -> memref<1x320x128xf32, #tpu.memory_space<vmem>>
    %dma_wait3A_103 = tpu.memref_squeeze %dma_wait3A_102 : memref<1x320x128xf32, #tpu.memory_space<vmem>> -> memref<320x128xf32, #tpu.memory_space<vmem>>
    %dma_wait3A_104 = arith.constant 0 : i32
    %dma_wait3A_105 = tpu.memref_slice %arg2[%min3A_100, %dma_wait3A_104] : memref<320000x128xf32, #tpu.memory_space<hbm>> -> memref<320x128xf32, #tpu.memory_space<hbm>>
    %dma_wait3A_106 = tpu.memref_slice %arg8[%rem3A_94] : memref<2x!tpu.dma_semaphore, #tpu.memory_space<semaphore_mem>> -> memref<1x!tpu.dma_semaphore, #tpu.memory_space<semaphore_mem>>
    %dma_wait3A_107 = tpu.memref_squeeze %dma_wait3A_106 : memref<1x!tpu.dma_semaphore, #tpu.memory_space<semaphore_mem>> -> memref<!tpu.dma_semaphore, #tpu.memory_space<semaphore_mem>>
    %dma_wait3A_108 = arith.constant 0 : i32
    %dma_wait3A_109 = arith.constant 0 : i32
    %dma_wait3A_110 = tpu.memref_slice %arg6[%rem3A_94, %dma_wait3A_108, %dma_wait3A_109] : memref<2x320x128xf32, #tpu.memory_space<vmem>> -> memref<1x320x128xf32, #tpu.memory_space<vmem>>
    %dma_wait3A_111 = tpu.memref_squeeze %dma_wait3A_110 : memref<1x320x128xf32, #tpu.memory_space<vmem>> -> memref<320x128xf32, #tpu.memory_space<vmem>>
    %dma_wait3A_112 = arith.constant 0 : i32
    %dma_wait3A_113 = tpu.memref_slice %arg2[%min3A_100, %dma_wait3A_112] : memref<320000x128xf32, #tpu.memory_space<hbm>> -> memref<320x128xf32, #tpu.memory_space<hbm>>
    tpu.wait_dma2 semaphore(%dma_wait3A_107 : memref<!tpu.dma_semaphore, #tpu.memory_space<semaphore_mem>>) src(%dma_wait3A_113 : memref<320x128xf32, #tpu.memory_space<hbm>>) dst(%dma_wait3A_111 : memref<320x128xf32, #tpu.memory_space<vmem>>)
    %broadcast_in_dim3A = arith.constant 0.000000e+00 : f32
    %broadcast_in_dim3A_114 = vector.broadcast %broadcast_in_dim3A : f32 to vector<16xf32>
    %broadcast_in_dim3A_115 = arith.constant 0.000000e+00 : f32
    %broadcast_in_dim3A_116 = vector.broadcast %broadcast_in_dim3A_115 : f32 to vector<16xf32>
    %broadcast_in_dim3A_117 = arith.constant 0.000000e+00 : f32
    %broadcast_in_dim3A_118 = vector.broadcast %broadcast_in_dim3A_117 : f32 to vector<16xf32>
    %broadcast_in_dim3A_119 = arith.constant 0.000000e+00 : f32
    %broadcast_in_dim3A_120 = vector.broadcast %broadcast_in_dim3A_119 : f32 to vector<16xf32>
    %broadcast_in_dim3A_121 = arith.constant 0.000000e+00 : f32
    %broadcast_in_dim3A_122 = vector.broadcast %broadcast_in_dim3A_121 : f32 to vector<16xf32>
    %broadcast_in_dim3A_123 = arith.constant 0.000000e+00 : f32
    %broadcast_in_dim3A_124 = vector.broadcast %broadcast_in_dim3A_123 : f32 to vector<16xf32>
    %broadcast_in_dim3A_125 = arith.constant 0.000000e+00 : f32
    %broadcast_in_dim3A_126 = vector.broadcast %broadcast_in_dim3A_125 : f32 to vector<16xf32>
    %broadcast_in_dim3A_127 = arith.constant 0.000000e+00 : f32
    %broadcast_in_dim3A_128 = vector.broadcast %broadcast_in_dim3A_127 : f32 to vector<16xf32>
    %add3A_129 = arith.addi %select_n3A, %max3A_67 : i32
    %sub3A_130 = arith.constant 1 : i32
    %sub3A_131 = arith.subi %add3A_129, %sub3A_130 : i32
    %while3A = arith.constant 0 : i32
    %while3A_132 = arith.constant 0 : i32
    %while3A_133 = arith.constant 0 : i32
    %while3A_134 = arith.subi %sub3A_131, %while3A : i32
    %while3A_135 = arith.addi %while3A, %while3A_134 : i32
    %while3A_136 = arith.constant 1 : i32
    %while3A_137 = arith.divsi %while3A_134, %while3A_136 : i32
    %while3A_138 = arith.muli %while3A_137, %while3A_136 : i32
    %while3A_139 = arith.addi %while3A, %while3A_138 : i32
    %while3A_140 = arith.constant 1 : i32
    %while3A_141:11 = scf.for %while3A_153 = %while3A to %while3A_139 step %while3A_140 iter_args(%while3A_154 = %squeeze3A, %while3A_155 = %while3A_132, %while3A_156 = %while3A_133, %while3A_157 = %broadcast_in_dim3A_114, %while3A_158 = %broadcast_in_dim3A_116, %while3A_159 = %broadcast_in_dim3A_118, %while3A_160 = %broadcast_in_dim3A_120, %while3A_161 = %broadcast_in_dim3A_122, %while3A_162 = %broadcast_in_dim3A_124, %while3A_163 = %broadcast_in_dim3A_126, %while3A_164 = %broadcast_in_dim3A_128) -> (i32, i32, i32, vector<16xf32>, vector<16xf32>, vector<16xf32>, vector<16xf32>, vector<16xf32>, vector<16xf32>, vector<16xf32>, vector<16xf32>)  : i32 {
      %get3A_165 = arith.index_cast %while3A_155 : i32 to index
      %get3A_166 = tpu.vector_load %arg5[%get3A_165] {strides = array<i32>} : memref<256xi32, #tpu.memory_space<vmem>>, vector<16xi32>,
      %get3A_167 = vector.shape_cast %get3A_166 : vector<16xi32> to vector<16xi32>
      %slice3A_168 = vector.extract_strided_slice %get3A_167 {offsets = [0], sizes = [1], strides = [1]} : vector<16xi32> to vector<1xi32>
      %squeeze3A_169 = vector.extract %slice3A_168[0] : i32 from vector<1xi32>
      %slice3A_170 = vector.extract_strided_slice %get3A_167 {offsets = [1], sizes = [1], strides = [1]} : vector<16xi32> to vector<1xi32>
      %squeeze3A_171 = vector.extract %slice3A_170[0] : i32 from vector<1xi32>
      %add3A_172 = arith.constant 1 : i32
      %add3A_173 = arith.addi %while3A_156, %add3A_172 : i32
      %mul3A_174 = arith.constant 320 : i32
      %mul3A_175 = arith.muli %add3A_173, %mul3A_174 : i32
      %add3A_176 = arith.addi %min3A_37, %mul3A_175 : i32
      %min3A_177 = arith.minsi %squeeze3A_15, %add3A_176 : i32
      %min3A_178 = arith.minsi %squeeze3A_171, %min3A_177 : i32
      %rem3A_179 = arith.constant 2 : i32
      %rem3A_180 = arith.remsi %while3A_156, %rem3A_179 : i32
      %mul3A_181 = arith.constant 320 : i32
      %mul3A_182 = arith.muli %while3A_156, %mul3A_181 : i32
      %add3A_183 = arith.addi %min3A_37, %mul3A_182 : i32
      %min3A_184 = arith.constant 319680 : i32
      %min3A_185 = arith.minsi %add3A_183, %min3A_184 : i32
      %parallel_loop3A = arith.constant 1 : i32
      %parallel_loop3A_186:8 = scf.for %parallel_loop3A_224 = %while3A_154 to %min3A_178 step %parallel_loop3A iter_args(%parallel_loop3A_225 = %while3A_157, %parallel_loop3A_226 = %while3A_158, %parallel_loop3A_227 = %while3A_159, %parallel_loop3A_228 = %while3A_160, %parallel_loop3A_229 = %while3A_161, %parallel_loop3A_230 = %while3A_162, %parallel_loop3A_231 = %while3A_163, %parallel_loop3A_232 = %while3A_164) -> (vector<16xf32>, vector<16xf32>, vector<16xf32>, vector<16xf32>, vector<16xf32>, vector<16xf32>, vector<16xf32>, vector<16xf32>)  : i32 {
        %parallel_loop3A_233 = arith.subi %parallel_loop3A_224, %min3A_185 : i32
        %parallel_loop3A_234 = arith.index_cast %rem3A_180 : i32 to index
        %parallel_loop3A_235 = arith.index_cast %parallel_loop3A_233 : i32 to index
        %parallel_loop3A_236 = arith.constant 0 : index
        %parallel_loop3A_237 = tpu.vector_load %arg6[%parallel_loop3A_234, %parallel_loop3A_235, %parallel_loop3A_236] {strides = array<i32>} : memref<2x320x128xf32, #tpu.memory_space<vmem>>, vector<1x1x16xf32>,
        %parallel_loop3A_238 = vector.shape_cast %parallel_loop3A_237 : vector<1x1x16xf32> to vector<16xf32>
        %parallel_loop3A_239 = arith.addf %parallel_loop3A_225, %parallel_loop3A_238 : vector<16xf32>
        %parallel_loop3A_240 = arith.index_cast %rem3A_180 : i32 to index
        %parallel_loop3A_241 = arith.index_cast %parallel_loop3A_233 : i32 to index
        %parallel_loop3A_242 = arith.constant 16 : index
        %parallel_loop3A_243 = tpu.vector_load %arg6[%parallel_loop3A_240, %parallel_loop3A_241, %parallel_loop3A_242] {strides = array<i32>} : memref<2x320x128xf32, #tpu.memory_space<vmem>>, vector<1x1x16xf32>,
        %parallel_loop3A_244 = vector.shape_cast %parallel_loop3A_243 : vector<1x1x16xf32> to vector<16xf32>
        %parallel_loop3A_245 = arith.addf %parallel_loop3A_226, %parallel_loop3A_244 : vector<16xf32>
        %parallel_loop3A_246 = arith.index_cast %rem3A_180 : i32 to index
        %parallel_loop3A_247 = arith.index_cast %parallel_loop3A_233 : i32 to index
        %parallel_loop3A_248 = arith.constant 32 : index
        %parallel_loop3A_249 = tpu.vector_load %arg6[%parallel_loop3A_246, %parallel_loop3A_247, %parallel_loop3A_248] {strides = array<i32>} : memref<2x320x128xf32, #tpu.memory_space<vmem>>, vector<1x1x16xf32>,
        %parallel_loop3A_250 = vector.shape_cast %parallel_loop3A_249 : vector<1x1x16xf32> to vector<16xf32>
        %parallel_loop3A_251 = arith.addf %parallel_loop3A_227, %parallel_loop3A_250 : vector<16xf32>
        %parallel_loop3A_252 = arith.index_cast %rem3A_180 : i32 to index
        %parallel_loop3A_253 = arith.index_cast %parallel_loop3A_233 : i32 to index
        %parallel_loop3A_254 = arith.constant 48 : index
        %parallel_loop3A_255 = tpu.vector_load %arg6[%parallel_loop3A_252, %parallel_loop3A_253, %parallel_loop3A_254] {strides = array<i32>} : memref<2x320x128xf32, #tpu.memory_space<vmem>>, vector<1x1x16xf32>,
        %parallel_loop3A_256 = vector.shape_cast %parallel_loop3A_255 : vector<1x1x16xf32> to vector<16xf32>
        %parallel_loop3A_257 = arith.addf %parallel_loop3A_228, %parallel_loop3A_256 : vector<16xf32>
        %parallel_loop3A_258 = arith.index_cast %rem3A_180 : i32 to index
        %parallel_loop3A_259 = arith.index_cast %parallel_loop3A_233 : i32 to index
        %parallel_loop3A_260 = arith.constant 64 : index
        %parallel_loop3A_261 = tpu.vector_load %arg6[%parallel_loop3A_258, %parallel_loop3A_259, %parallel_loop3A_260] {strides = array<i32>} : memref<2x320x128xf32, #tpu.memory_space<vmem>>, vector<1x1x16xf32>,
        %parallel_loop3A_262 = vector.shape_cast %parallel_loop3A_261 : vector<1x1x16xf32> to vector<16xf32>
        %parallel_loop3A_263 = arith.addf %parallel_loop3A_229, %parallel_loop3A_262 : vector<16xf32>
        %parallel_loop3A_264 = arith.index_cast %rem3A_180 : i32 to index
        %parallel_loop3A_265 = arith.index_cast %parallel_loop3A_233 : i32 to index
        %parallel_loop3A_266 = arith.constant 80 : index
        %parallel_loop3A_267 = tpu.vector_load %arg6[%parallel_loop3A_264, %parallel_loop3A_265, %parallel_loop3A_266] {strides = array<i32>} : memref<2x320x128xf32, #tpu.memory_space<vmem>>, vector<1x1x16xf32>,
        %parallel_loop3A_268 = vector.shape_cast %parallel_loop3A_267 : vector<1x1x16xf32> to vector<16xf32>
        %parallel_loop3A_269 = arith.addf %parallel_loop3A_230, %parallel_loop3A_268 : vector<16xf32>
        %parallel_loop3A_270 = arith.index_cast %rem3A_180 : i32 to index
        %parallel_loop3A_271 = arith.index_cast %parallel_loop3A_233 : i32 to index
        %parallel_loop3A_272 = arith.constant 96 : index
        %parallel_loop3A_273 = tpu.vector_load %arg6[%parallel_loop3A_270, %parallel_loop3A_271, %parallel_loop3A_272] {strides = array<i32>} : memref<2x320x128xf32, #tpu.memory_space<vmem>>, vector<1x1x16xf32>,
        %parallel_loop3A_274 = vector.shape_cast %parallel_loop3A_273 : vector<1x1x16xf32> to vector<16xf32>
        %parallel_loop3A_275 = arith.addf %parallel_loop3A_231, %parallel_loop3A_274 : vector<16xf32>
        %parallel_loop3A_276 = arith.index_cast %rem3A_180 : i32 to index
        %parallel_loop3A_277 = arith.index_cast %parallel_loop3A_233 : i32 to index
        %parallel_loop3A_278 = arith.constant 112 : index
        %parallel_loop3A_279 = tpu.vector_load %arg6[%parallel_loop3A_276, %parallel_loop3A_277, %parallel_loop3A_278] {strides = array<i32>} : memref<2x320x128xf32, #tpu.memory_space<vmem>>, vector<1x1x16xf32>,
        %parallel_loop3A_280 = vector.shape_cast %parallel_loop3A_279 : vector<1x1x16xf32> to vector<16xf32>
        %parallel_loop3A_281 = arith.addf %parallel_loop3A_232, %parallel_loop3A_280 : vector<16xf32>
        scf.yield %parallel_loop3A_239, %parallel_loop3A_245, %parallel_loop3A_251, %parallel_loop3A_257, %parallel_loop3A_263, %parallel_loop3A_269, %parallel_loop3A_275, %parallel_loop3A_281 : vector<16xf32>, vector<16xf32>, vector<16xf32>, vector<16xf32>, vector<16xf32>, vector<16xf32>, vector<16xf32>, vector<16xf32>
      } {sc.loop_unroll_factor = 4 : i64, sc.parallel_access}
      %le3A = arith.cmpi sle, %squeeze3A_171, %min3A_177 : i32
      %convert_element_type3A_187 = arith.extui %le3A : i1 to i32
      %cond3A_188 = arith.constant 0 : i32
      %cond3A_189 = arith.cmpi ne, %convert_element_type3A_187, %cond3A_188 : i32
      scf.if %cond3A_189 {
        %broadcast_in_dim3A_224 = arith.constant 1.000000e+00 : f32
        %broadcast_in_dim3A_225 = vector.broadcast %broadcast_in_dim3A_224 : f32 to vector<16xf32>
        %sub3A_226 = arith.subi %squeeze3A_171, %squeeze3A_169 : i32
        %max3A_227 = arith.constant 1 : i32
        %max3A_228 = arith.maxsi %sub3A_226, %max3A_227 : i32
        %convert_element_type3A_229 = arith.sitofp %max3A_228 : i32 to f32
        %mul3A_230 = vector.broadcast %convert_element_type3A_229 : f32 to vector<16xf32>
        %mul3A_231 = arith.mulf %broadcast_in_dim3A_225, %mul3A_230 : vector<16xf32>
        %broadcast_in_dim3A_232 = arith.constant 1.000000e+00 : f32
        %broadcast_in_dim3A_233 = vector.broadcast %broadcast_in_dim3A_232 : f32 to vector<16xf32>
        %div3A_234 = arith.divf %broadcast_in_dim3A_233, %mul3A_231 : vector<16xf32>
        %mul3A_235 = arith.mulf %parallel_loop3A_186#0, %div3A_234 : vector<16xf32>
        %swap3A = arith.index_cast %while3A_155 : i32 to index
        %swap3A_236 = arith.constant 0 : index
        %swap3A_237 = tpu.vector_load %arg7[%swap3A, %swap3A_236] {strides = array<i32>} : memref<240x128xf32, #tpu.memory_space<vmem>>, vector<1x16xf32>,
        %swap3A_238 = vector.shape_cast %swap3A_237 : vector<1x16xf32> to vector<16xf32>
        %swap3A_239 = vector.shape_cast %mul3A_235 : vector<16xf32> to vector<1x16xf32>
        tpu.vector_store %arg7[%swap3A, %swap3A_236], %swap3A_239 {strides = array<i32>} : memref<240x128xf32, #tpu.memory_space<vmem>>, vector<1x16xf32>,
        %mul3A_240 = arith.mulf %parallel_loop3A_186#1, %div3A_234 : vector<16xf32>
        %swap3A_241 = arith.index_cast %while3A_155 : i32 to index
        %swap3A_242 = arith.constant 16 : index
        %swap3A_243 = tpu.vector_load %arg7[%swap3A_241, %swap3A_242] {strides = array<i32>} : memref<240x128xf32, #tpu.memory_space<vmem>>, vector<1x16xf32>,
        %swap3A_244 = vector.shape_cast %swap3A_243 : vector<1x16xf32> to vector<16xf32>
        %swap3A_245 = vector.shape_cast %mul3A_240 : vector<16xf32> to vector<1x16xf32>
        tpu.vector_store %arg7[%swap3A_241, %swap3A_242], %swap3A_245 {strides = array<i32>} : memref<240x128xf32, #tpu.memory_space<vmem>>, vector<1x16xf32>,
        %mul3A_246 = arith.mulf %parallel_loop3A_186#2, %div3A_234 : vector<16xf32>
        %swap3A_247 = arith.index_cast %while3A_155 : i32 to index
        %swap3A_248 = arith.constant 32 : index
        %swap3A_249 = tpu.vector_load %arg7[%swap3A_247, %swap3A_248] {strides = array<i32>} : memref<240x128xf32, #tpu.memory_space<vmem>>, vector<1x16xf32>,
        %swap3A_250 = vector.shape_cast %swap3A_249 : vector<1x16xf32> to vector<16xf32>
        %swap3A_251 = vector.shape_cast %mul3A_246 : vector<16xf32> to vector<1x16xf32>
        tpu.vector_store %arg7[%swap3A_247, %swap3A_248], %swap3A_251 {strides = array<i32>} : memref<240x128xf32, #tpu.memory_space<vmem>>, vector<1x16xf32>,
        %mul3A_252 = arith.mulf %parallel_loop3A_186#3, %div3A_234 : vector<16xf32>
        %swap3A_253 = arith.index_cast %while3A_155 : i32 to index
        %swap3A_254 = arith.constant 48 : index
        %swap3A_255 = tpu.vector_load %arg7[%swap3A_253, %swap3A_254] {strides = array<i32>} : memref<240x128xf32, #tpu.memory_space<vmem>>, vector<1x16xf32>,
        %swap3A_256 = vector.shape_cast %swap3A_255 : vector<1x16xf32> to vector<16xf32>
        %swap3A_257 = vector.shape_cast %mul3A_252 : vector<16xf32> to vector<1x16xf32>
        tpu.vector_store %arg7[%swap3A_253, %swap3A_254], %swap3A_257 {strides = array<i32>} : memref<240x128xf32, #tpu.memory_space<vmem>>, vector<1x16xf32>,
        %mul3A_258 = arith.mulf %parallel_loop3A_186#4, %div3A_234 : vector<16xf32>
        %swap3A_259 = arith.index_cast %while3A_155 : i32 to index
        %swap3A_260 = arith.constant 64 : index
        %swap3A_261 = tpu.vector_load %arg7[%swap3A_259, %swap3A_260] {strides = array<i32>} : memref<240x128xf32, #tpu.memory_space<vmem>>, vector<1x16xf32>,
        %swap3A_262 = vector.shape_cast %swap3A_261 : vector<1x16xf32> to vector<16xf32>
        %swap3A_263 = vector.shape_cast %mul3A_258 : vector<16xf32> to vector<1x16xf32>
        tpu.vector_store %arg7[%swap3A_259, %swap3A_260], %swap3A_263 {strides = array<i32>} : memref<240x128xf32, #tpu.memory_space<vmem>>, vector<1x16xf32>,
        %mul3A_264 = arith.mulf %parallel_loop3A_186#5, %div3A_234 : vector<16xf32>
        %swap3A_265 = arith.index_cast %while3A_155 : i32 to index
        %swap3A_266 = arith.constant 80 : index
        %swap3A_267 = tpu.vector_load %arg7[%swap3A_265, %swap3A_266] {strides = array<i32>} : memref<240x128xf32, #tpu.memory_space<vmem>>, vector<1x16xf32>,
        %swap3A_268 = vector.shape_cast %swap3A_267 : vector<1x16xf32> to vector<16xf32>
        %swap3A_269 = vector.shape_cast %mul3A_264 : vector<16xf32> to vector<1x16xf32>
        tpu.vector_store %arg7[%swap3A_265, %swap3A_266], %swap3A_269 {strides = array<i32>} : memref<240x128xf32, #tpu.memory_space<vmem>>, vector<1x16xf32>,
        %mul3A_270 = arith.mulf %parallel_loop3A_186#6, %div3A_234 : vector<16xf32>
        %swap3A_271 = arith.index_cast %while3A_155 : i32 to index
        %swap3A_272 = arith.constant 96 : index
        %swap3A_273 = tpu.vector_load %arg7[%swap3A_271, %swap3A_272] {strides = array<i32>} : memref<240x128xf32, #tpu.memory_space<vmem>>, vector<1x16xf32>,
        %swap3A_274 = vector.shape_cast %swap3A_273 : vector<1x16xf32> to vector<16xf32>
        %swap3A_275 = vector.shape_cast %mul3A_270 : vector<16xf32> to vector<1x16xf32>
        tpu.vector_store %arg7[%swap3A_271, %swap3A_272], %swap3A_275 {strides = array<i32>} : memref<240x128xf32, #tpu.memory_space<vmem>>, vector<1x16xf32>,
        %mul3A_276 = arith.mulf %parallel_loop3A_186#7, %div3A_234 : vector<16xf32>
        %swap3A_277 = arith.index_cast %while3A_155 : i32 to index
        %swap3A_278 = arith.constant 112 : index
        %swap3A_279 = tpu.vector_load %arg7[%swap3A_277, %swap3A_278] {strides = array<i32>} : memref<240x128xf32, #tpu.memory_space<vmem>>, vector<1x16xf32>,
        %swap3A_280 = vector.shape_cast %swap3A_279 : vector<1x16xf32> to vector<16xf32>
        %swap3A_281 = vector.shape_cast %mul3A_276 : vector<16xf32> to vector<1x16xf32>
        tpu.vector_store %arg7[%swap3A_277, %swap3A_278], %swap3A_281 {strides = array<i32>} : memref<240x128xf32, #tpu.memory_space<vmem>>, vector<1x16xf32>,
      } else {
      }
      %not3A = arith.constant true
      %not3A_190 = arith.xori %le3A, %not3A : i1
      %convert_element_type3A_191 = arith.extui %not3A_190 : i1 to i32
      %cond3A_192 = arith.constant 0 : i32
      %cond3A_193 = arith.cmpi ne, %convert_element_type3A_191, %cond3A_192 : i32
      scf.if %cond3A_193 {
        %add3A_224 = arith.constant 1 : i32
        %add3A_225 = arith.addi %while3A_156, %add3A_224 : i32
        %rem3A_226 = arith.constant 2 : i32
        %rem3A_227 = arith.remsi %add3A_225, %rem3A_226 : i32
        %mul3A_228 = arith.constant 320 : i32
        %mul3A_229 = arith.muli %add3A_225, %mul3A_228 : i32
        %add3A_230 = arith.addi %min3A_37, %mul3A_229 : i32
        %min3A_231 = arith.constant 319680 : i32
        %min3A_232 = arith.minsi %add3A_230, %min3A_231 : i32
        %dma_wait3A_233 = arith.constant 0 : i32
        %dma_wait3A_234 = arith.constant 0 : i32
        %dma_wait3A_235 = tpu.memref_slice %arg6[%rem3A_227, %dma_wait3A_233, %dma_wait3A_234] : memref<2x320x128xf32, #tpu.memory_space<vmem>> -> memref<1x320x128xf32, #tpu.memory_space<vmem>>
        %dma_wait3A_236 = tpu.memref_squeeze %dma_wait3A_235 : memref<1x320x128xf32, #tpu.memory_space<vmem>> -> memref<320x128xf32, #tpu.memory_space<vmem>>
        %dma_wait3A_237 = arith.constant 0 : i32
        %dma_wait3A_238 = tpu.memref_slice %arg2[%min3A_232, %dma_wait3A_237] : memref<320000x128xf32, #tpu.memory_space<hbm>> -> memref<320x128xf32, #tpu.memory_space<hbm>>
        %dma_wait3A_239 = tpu.memref_slice %arg8[%rem3A_227] : memref<2x!tpu.dma_semaphore, #tpu.memory_space<semaphore_mem>> -> memref<1x!tpu.dma_semaphore, #tpu.memory_space<semaphore_mem>>
        %dma_wait3A_240 = tpu.memref_squeeze %dma_wait3A_239 : memref<1x!tpu.dma_semaphore, #tpu.memory_space<semaphore_mem>> -> memref<!tpu.dma_semaphore, #tpu.memory_space<semaphore_mem>>
        %dma_wait3A_241 = arith.constant 0 : i32
        %dma_wait3A_242 = arith.constant 0 : i32
        %dma_wait3A_243 = tpu.memref_slice %arg6[%rem3A_227, %dma_wait3A_241, %dma_wait3A_242] : memref<2x320x128xf32, #tpu.memory_space<vmem>> -> memref<1x320x128xf32, #tpu.memory_space<vmem>>
        %dma_wait3A_244 = tpu.memref_squeeze %dma_wait3A_243 : memref<1x320x128xf32, #tpu.memory_space<vmem>> -> memref<320x128xf32, #tpu.memory_space<vmem>>
        %dma_wait3A_245 = arith.constant 0 : i32
        %dma_wait3A_246 = tpu.memref_slice %arg2[%min3A_232, %dma_wait3A_245] : memref<320000x128xf32, #tpu.memory_space<hbm>> -> memref<320x128xf32, #tpu.memory_space<hbm>>
        tpu.wait_dma2 semaphore(%dma_wait3A_240 : memref<!tpu.dma_semaphore, #tpu.memory_space<semaphore_mem>>) src(%dma_wait3A_246 : memref<320x128xf32, #tpu.memory_space<hbm>>) dst(%dma_wait3A_244 : memref<320x128xf32, #tpu.memory_space<vmem>>)
        %add3A_247 = arith.constant 2 : i32
        %add3A_248 = arith.addi %while3A_156, %add3A_247 : i32
        %lt3A_249 = arith.cmpi slt, %add3A_248, %max3A_67 : i32
        %convert_element_type3A_250 = arith.extui %lt3A_249 : i1 to i32
        %cond3A_251 = arith.constant 0 : i32
        %cond3A_252 = arith.cmpi ne, %convert_element_type3A_250, %cond3A_251 : i32
        scf.if %cond3A_252 {
          %add3A_253 = arith.constant 2 : i32
          %add3A_254 = arith.addi %while3A_156, %add3A_253 : i32
          %rem3A_255 = arith.constant 2 : i32
          %rem3A_256 = arith.remsi %add3A_254, %rem3A_255 : i32
          %mul3A_257 = arith.constant 320 : i32
          %mul3A_258 = arith.muli %add3A_254, %mul3A_257 : i32
          %add3A_259 = arith.addi %min3A_37, %mul3A_258 : i32
          %min3A_260 = arith.constant 319680 : i32
          %min3A_261 = arith.minsi %add3A_259, %min3A_260 : i32
          %dma_start3A_262 = arith.constant 0 : i32
          %dma_start3A_263 = arith.constant 0 : i32
          %dma_start3A_264 = tpu.memref_slice %arg6[%rem3A_256, %dma_start3A_262, %dma_start3A_263] : memref<2x320x128xf32, #tpu.memory_space<vmem>> -> memref<1x320x128xf32, #tpu.memory_space<vmem>>
          %dma_start3A_265 = tpu.memref_squeeze %dma_start3A_264 : memref<1x320x128xf32, #tpu.memory_space<vmem>> -> memref<320x128xf32, #tpu.memory_space<vmem>>
          %dma_start3A_266 = arith.constant 0 : i32
          %dma_start3A_267 = tpu.memref_slice %arg2[%min3A_261, %dma_start3A_266] : memref<320000x128xf32, #tpu.memory_space<hbm>> -> memref<320x128xf32, #tpu.memory_space<hbm>>
          %dma_start3A_268 = tpu.memref_slice %arg8[%rem3A_256] : memref<2x!tpu.dma_semaphore, #tpu.memory_space<semaphore_mem>> -> memref<1x!tpu.dma_semaphore, #tpu.memory_space<semaphore_mem>>
          %dma_start3A_269 = tpu.memref_squeeze %dma_start3A_268 : memref<1x!tpu.dma_semaphore, #tpu.memory_space<semaphore_mem>> -> memref<!tpu.dma_semaphore, #tpu.memory_space<semaphore_mem>>
          %dma_start3A_270 = arith.constant 0 : i32
          %dma_start3A_271 = arith.constant 0 : i32
          %dma_start3A_272 = tpu.memref_slice %arg6[%rem3A_256, %dma_start3A_270, %dma_start3A_271] : memref<2x320x128xf32, #tpu.memory_space<vmem>> -> memref<1x320x128xf32, #tpu.memory_space<vmem>>
          %dma_start3A_273 = tpu.memref_squeeze %dma_start3A_272 : memref<1x320x128xf32, #tpu.memory_space<vmem>> -> memref<320x128xf32, #tpu.memory_space<vmem>>
          %dma_start3A_274 = arith.constant 0 : i32
          %dma_start3A_275 = tpu.memref_slice %arg2[%min3A_261, %dma_start3A_274] : memref<320000x128xf32, #tpu.memory_space<hbm>> -> memref<320x128xf32, #tpu.memory_space<hbm>>
          tpu.enqueue_dma source(%dma_start3A_275 : memref<320x128xf32, #tpu.memory_space<hbm>>) target(%dma_start3A_273 : memref<320x128xf32, #tpu.memory_space<vmem>>) target_semaphore(%dma_start3A_269 : memref<!tpu.dma_semaphore, #tpu.memory_space<semaphore_mem>>)
        } else {
        }
      } else {
      }
      %add3A_194 = arith.constant 1 : i32
      %add3A_195 = arith.addi %while3A_155, %add3A_194 : i32
      %select_n3A_196 = arith.select %le3A, %add3A_195, %while3A_155 : i32
      %add3A_197 = arith.constant 1 : i32
      %add3A_198 = arith.addi %while3A_156, %add3A_197 : i32
      %select_n3A_199 = arith.select %le3A, %while3A_156, %add3A_198 : i32
      %broadcast_in_dim3A_200 = arith.constant 0.000000e+00 : f32
      %broadcast_in_dim3A_201 = vector.broadcast %broadcast_in_dim3A_200 : f32 to vector<16xf32>
      %select_n3A_202 = arith.select %le3A, %broadcast_in_dim3A_201, %parallel_loop3A_186#0 : vector<16xf32>
      %broadcast_in_dim3A_203 = arith.constant 0.000000e+00 : f32
      %broadcast_in_dim3A_204 = vector.broadcast %broadcast_in_dim3A_203 : f32 to vector<16xf32>
      %select_n3A_205 = arith.select %le3A, %broadcast_in_dim3A_204, %parallel_loop3A_186#1 : vector<16xf32>
      %broadcast_in_dim3A_206 = arith.constant 0.000000e+00 : f32
      %broadcast_in_dim3A_207 = vector.broadcast %broadcast_in_dim3A_206 : f32 to vector<16xf32>
      %select_n3A_208 = arith.select %le3A, %broadcast_in_dim3A_207, %parallel_loop3A_186#2 : vector<16xf32>
      %broadcast_in_dim3A_209 = arith.constant 0.000000e+00 : f32
      %broadcast_in_dim3A_210 = vector.broadcast %broadcast_in_dim3A_209 : f32 to vector<16xf32>
      %select_n3A_211 = arith.select %le3A, %broadcast_in_dim3A_210, %parallel_loop3A_186#3 : vector<16xf32>
      %broadcast_in_dim3A_212 = arith.constant 0.000000e+00 : f32
      %broadcast_in_dim3A_213 = vector.broadcast %broadcast_in_dim3A_212 : f32 to vector<16xf32>
      %select_n3A_214 = arith.select %le3A, %broadcast_in_dim3A_213, %parallel_loop3A_186#4 : vector<16xf32>
      %broadcast_in_dim3A_215 = arith.constant 0.000000e+00 : f32
      %broadcast_in_dim3A_216 = vector.broadcast %broadcast_in_dim3A_215 : f32 to vector<16xf32>
      %select_n3A_217 = arith.select %le3A, %broadcast_in_dim3A_216, %parallel_loop3A_186#5 : vector<16xf32>
      %broadcast_in_dim3A_218 = arith.constant 0.000000e+00 : f32
      %broadcast_in_dim3A_219 = vector.broadcast %broadcast_in_dim3A_218 : f32 to vector<16xf32>
      %select_n3A_220 = arith.select %le3A, %broadcast_in_dim3A_219, %parallel_loop3A_186#6 : vector<16xf32>
      %broadcast_in_dim3A_221 = arith.constant 0.000000e+00 : f32
      %broadcast_in_dim3A_222 = vector.broadcast %broadcast_in_dim3A_221 : f32 to vector<16xf32>
      %select_n3A_223 = arith.select %le3A, %broadcast_in_dim3A_222, %parallel_loop3A_186#7 : vector<16xf32>
      scf.yield %min3A_178, %select_n3A_196, %select_n3A_199, %select_n3A_202, %select_n3A_205, %select_n3A_208, %select_n3A_211, %select_n3A_214, %select_n3A_217, %select_n3A_220, %select_n3A_223 : i32, i32, i32, vector<16xf32>, vector<16xf32>, vector<16xf32>, vector<16xf32>, vector<16xf32>, vector<16xf32>, vector<16xf32>, vector<16xf32>
    }
    %while3A_142 = arith.constant 1 : i32
    %while3A_143:11 = scf.for %while3A_153 = %while3A_139 to %while3A_135 step %while3A_142 iter_args(%while3A_154 = %while3A_141#0, %while3A_155 = %while3A_141#1, %while3A_156 = %while3A_141#2, %while3A_157 = %while3A_141#3, %while3A_158 = %while3A_141#4, %while3A_159 = %while3A_141#5, %while3A_160 = %while3A_141#6, %while3A_161 = %while3A_141#7, %while3A_162 = %while3A_141#8, %while3A_163 = %while3A_141#9, %while3A_164 = %while3A_141#10) -> (i32, i32, i32, vector<16xf32>, vector<16xf32>, vector<16xf32>, vector<16xf32>, vector<16xf32>, vector<16xf32>, vector<16xf32>, vector<16xf32>)  : i32 {
      %get3A_165 = arith.index_cast %while3A_155 : i32 to index
      %get3A_166 = tpu.vector_load %arg5[%get3A_165] {strides = array<i32>} : memref<256xi32, #tpu.memory_space<vmem>>, vector<16xi32>,
      %get3A_167 = vector.shape_cast %get3A_166 : vector<16xi32> to vector<16xi32>
      %slice3A_168 = vector.extract_strided_slice %get3A_167 {offsets = [0], sizes = [1], strides = [1]} : vector<16xi32> to vector<1xi32>
      %squeeze3A_169 = vector.extract %slice3A_168[0] : i32 from vector<1xi32>
      %slice3A_170 = vector.extract_strided_slice %get3A_167 {offsets = [1], sizes = [1], strides = [1]} : vector<16xi32> to vector<1xi32>
      %squeeze3A_171 = vector.extract %slice3A_170[0] : i32 from vector<1xi32>
      %add3A_172 = arith.constant 1 : i32
      %add3A_173 = arith.addi %while3A_156, %add3A_172 : i32
      %mul3A_174 = arith.constant 320 : i32
      %mul3A_175 = arith.muli %add3A_173, %mul3A_174 : i32
      %add3A_176 = arith.addi %min3A_37, %mul3A_175 : i32
      %min3A_177 = arith.minsi %squeeze3A_15, %add3A_176 : i32
      %min3A_178 = arith.minsi %squeeze3A_171, %min3A_177 : i32
      %rem3A_179 = arith.constant 2 : i32
      %rem3A_180 = arith.remsi %while3A_156, %rem3A_179 : i32
      %mul3A_181 = arith.constant 320 : i32
      %mul3A_182 = arith.muli %while3A_156, %mul3A_181 : i32
      %add3A_183 = arith.addi %min3A_37, %mul3A_182 : i32
      %min3A_184 = arith.constant 319680 : i32
      %min3A_185 = arith.minsi %add3A_183, %min3A_184 : i32
      %parallel_loop3A = arith.constant 1 : i32
      %parallel_loop3A_186:8 = scf.for %parallel_loop3A_224 = %while3A_154 to %min3A_178 step %parallel_loop3A iter_args(%parallel_loop3A_225 = %while3A_157, %parallel_loop3A_226 = %while3A_158, %parallel_loop3A_227 = %while3A_159, %parallel_loop3A_228 = %while3A_160, %parallel_loop3A_229 = %while3A_161, %parallel_loop3A_230 = %while3A_162, %parallel_loop3A_231 = %while3A_163, %parallel_loop3A_232 = %while3A_164) -> (vector<16xf32>, vector<16xf32>, vector<16xf32>, vector<16xf32>, vector<16xf32>, vector<16xf32>, vector<16xf32>, vector<16xf32>)  : i32 {
        %parallel_loop3A_233 = arith.subi %parallel_loop3A_224, %min3A_185 : i32
        %parallel_loop3A_234 = arith.index_cast %rem3A_180 : i32 to index
        %parallel_loop3A_235 = arith.index_cast %parallel_loop3A_233 : i32 to index
        %parallel_loop3A_236 = arith.constant 0 : index
        %parallel_loop3A_237 = tpu.vector_load %arg6[%parallel_loop3A_234, %parallel_loop3A_235, %parallel_loop3A_236] {strides = array<i32>} : memref<2x320x128xf32, #tpu.memory_space<vmem>>, vector<1x1x16xf32>,
        %parallel_loop3A_238 = vector.shape_cast %parallel_loop3A_237 : vector<1x1x16xf32> to vector<16xf32>
        %parallel_loop3A_239 = arith.addf %parallel_loop3A_225, %parallel_loop3A_238 : vector<16xf32>
        %parallel_loop3A_240 = arith.index_cast %rem3A_180 : i32 to index
        %parallel_loop3A_241 = arith.index_cast %parallel_loop3A_233 : i32 to index
        %parallel_loop3A_242 = arith.constant 16 : index
        %parallel_loop3A_243 = tpu.vector_load %arg6[%parallel_loop3A_240, %parallel_loop3A_241, %parallel_loop3A_242] {strides = array<i32>} : memref<2x320x128xf32, #tpu.memory_space<vmem>>, vector<1x1x16xf32>,
        %parallel_loop3A_244 = vector.shape_cast %parallel_loop3A_243 : vector<1x1x16xf32> to vector<16xf32>
        %parallel_loop3A_245 = arith.addf %parallel_loop3A_226, %parallel_loop3A_244 : vector<16xf32>
        %parallel_loop3A_246 = arith.index_cast %rem3A_180 : i32 to index
        %parallel_loop3A_247 = arith.index_cast %parallel_loop3A_233 : i32 to index
        %parallel_loop3A_248 = arith.constant 32 : index
        %parallel_loop3A_249 = tpu.vector_load %arg6[%parallel_loop3A_246, %parallel_loop3A_247, %parallel_loop3A_248] {strides = array<i32>} : memref<2x320x128xf32, #tpu.memory_space<vmem>>, vector<1x1x16xf32>,
        %parallel_loop3A_250 = vector.shape_cast %parallel_loop3A_249 : vector<1x1x16xf32> to vector<16xf32>
        %parallel_loop3A_251 = arith.addf %parallel_loop3A_227, %parallel_loop3A_250 : vector<16xf32>
        %parallel_loop3A_252 = arith.index_cast %rem3A_180 : i32 to index
        %parallel_loop3A_253 = arith.index_cast %parallel_loop3A_233 : i32 to index
        %parallel_loop3A_254 = arith.constant 48 : index
        %parallel_loop3A_255 = tpu.vector_load %arg6[%parallel_loop3A_252, %parallel_loop3A_253, %parallel_loop3A_254] {strides = array<i32>} : memref<2x320x128xf32, #tpu.memory_space<vmem>>, vector<1x1x16xf32>,
        %parallel_loop3A_256 = vector.shape_cast %parallel_loop3A_255 : vector<1x1x16xf32> to vector<16xf32>
        %parallel_loop3A_257 = arith.addf %parallel_loop3A_228, %parallel_loop3A_256 : vector<16xf32>
        %parallel_loop3A_258 = arith.index_cast %rem3A_180 : i32 to index
        %parallel_loop3A_259 = arith.index_cast %parallel_loop3A_233 : i32 to index
        %parallel_loop3A_260 = arith.constant 64 : index
        %parallel_loop3A_261 = tpu.vector_load %arg6[%parallel_loop3A_258, %parallel_loop3A_259, %parallel_loop3A_260] {strides = array<i32>} : memref<2x320x128xf32, #tpu.memory_space<vmem>>, vector<1x1x16xf32>,
        %parallel_loop3A_262 = vector.shape_cast %parallel_loop3A_261 : vector<1x1x16xf32> to vector<16xf32>
        %parallel_loop3A_263 = arith.addf %parallel_loop3A_229, %parallel_loop3A_262 : vector<16xf32>
        %parallel_loop3A_264 = arith.index_cast %rem3A_180 : i32 to index
        %parallel_loop3A_265 = arith.index_cast %parallel_loop3A_233 : i32 to index
        %parallel_loop3A_266 = arith.constant 80 : index
        %parallel_loop3A_267 = tpu.vector_load %arg6[%parallel_loop3A_264, %parallel_loop3A_265, %parallel_loop3A_266] {strides = array<i32>} : memref<2x320x128xf32, #tpu.memory_space<vmem>>, vector<1x1x16xf32>,
        %parallel_loop3A_268 = vector.shape_cast %parallel_loop3A_267 : vector<1x1x16xf32> to vector<16xf32>
        %parallel_loop3A_269 = arith.addf %parallel_loop3A_230, %parallel_loop3A_268 : vector<16xf32>
        %parallel_loop3A_270 = arith.index_cast %rem3A_180 : i32 to index
        %parallel_loop3A_271 = arith.index_cast %parallel_loop3A_233 : i32 to index
        %parallel_loop3A_272 = arith.constant 96 : index
        %parallel_loop3A_273 = tpu.vector_load %arg6[%parallel_loop3A_270, %parallel_loop3A_271, %parallel_loop3A_272] {strides = array<i32>} : memref<2x320x128xf32, #tpu.memory_space<vmem>>, vector<1x1x16xf32>,
        %parallel_loop3A_274 = vector.shape_cast %parallel_loop3A_273 : vector<1x1x16xf32> to vector<16xf32>
        %parallel_loop3A_275 = arith.addf %parallel_loop3A_231, %parallel_loop3A_274 : vector<16xf32>
        %parallel_loop3A_276 = arith.index_cast %rem3A_180 : i32 to index
        %parallel_loop3A_277 = arith.index_cast %parallel_loop3A_233 : i32 to index
        %parallel_loop3A_278 = arith.constant 112 : index
        %parallel_loop3A_279 = tpu.vector_load %arg6[%parallel_loop3A_276, %parallel_loop3A_277, %parallel_loop3A_278] {strides = array<i32>} : memref<2x320x128xf32, #tpu.memory_space<vmem>>, vector<1x1x16xf32>,
        %parallel_loop3A_280 = vector.shape_cast %parallel_loop3A_279 : vector<1x1x16xf32> to vector<16xf32>
        %parallel_loop3A_281 = arith.addf %parallel_loop3A_232, %parallel_loop3A_280 : vector<16xf32>
        scf.yield %parallel_loop3A_239, %parallel_loop3A_245, %parallel_loop3A_251, %parallel_loop3A_257, %parallel_loop3A_263, %parallel_loop3A_269, %parallel_loop3A_275, %parallel_loop3A_281 : vector<16xf32>, vector<16xf32>, vector<16xf32>, vector<16xf32>, vector<16xf32>, vector<16xf32>, vector<16xf32>, vector<16xf32>
      } {sc.loop_unroll_factor = 4 : i64, sc.parallel_access}
      %le3A = arith.cmpi sle, %squeeze3A_171, %min3A_177 : i32
      %convert_element_type3A_187 = arith.extui %le3A : i1 to i32
      %cond3A_188 = arith.constant 0 : i32
      %cond3A_189 = arith.cmpi ne, %convert_element_type3A_187, %cond3A_188 : i32
      scf.if %cond3A_189 {
        %broadcast_in_dim3A_224 = arith.constant 1.000000e+00 : f32
        %broadcast_in_dim3A_225 = vector.broadcast %broadcast_in_dim3A_224 : f32 to vector<16xf32>
        %sub3A_226 = arith.subi %squeeze3A_171, %squeeze3A_169 : i32
        %max3A_227 = arith.constant 1 : i32
        %max3A_228 = arith.maxsi %sub3A_226, %max3A_227 : i32
        %convert_element_type3A_229 = arith.sitofp %max3A_228 : i32 to f32
        %mul3A_230 = vector.broadcast %convert_element_type3A_229 : f32 to vector<16xf32>
        %mul3A_231 = arith.mulf %broadcast_in_dim3A_225, %mul3A_230 : vector<16xf32>
        %broadcast_in_dim3A_232 = arith.constant 1.000000e+00 : f32
        %broadcast_in_dim3A_233 = vector.broadcast %broadcast_in_dim3A_232 : f32 to vector<16xf32>
        %div3A_234 = arith.divf %broadcast_in_dim3A_233, %mul3A_231 : vector<16xf32>
        %mul3A_235 = arith.mulf %parallel_loop3A_186#0, %div3A_234 : vector<16xf32>
        %swap3A = arith.index_cast %while3A_155 : i32 to index
        %swap3A_236 = arith.constant 0 : index
        %swap3A_237 = tpu.vector_load %arg7[%swap3A, %swap3A_236] {strides = array<i32>} : memref<240x128xf32, #tpu.memory_space<vmem>>, vector<1x16xf32>,
        %swap3A_238 = vector.shape_cast %swap3A_237 : vector<1x16xf32> to vector<16xf32>
        %swap3A_239 = vector.shape_cast %mul3A_235 : vector<16xf32> to vector<1x16xf32>
        tpu.vector_store %arg7[%swap3A, %swap3A_236], %swap3A_239 {strides = array<i32>} : memref<240x128xf32, #tpu.memory_space<vmem>>, vector<1x16xf32>,
        %mul3A_240 = arith.mulf %parallel_loop3A_186#1, %div3A_234 : vector<16xf32>
        %swap3A_241 = arith.index_cast %while3A_155 : i32 to index
        %swap3A_242 = arith.constant 16 : index
        %swap3A_243 = tpu.vector_load %arg7[%swap3A_241, %swap3A_242] {strides = array<i32>} : memref<240x128xf32, #tpu.memory_space<vmem>>, vector<1x16xf32>,
        %swap3A_244 = vector.shape_cast %swap3A_243 : vector<1x16xf32> to vector<16xf32>
        %swap3A_245 = vector.shape_cast %mul3A_240 : vector<16xf32> to vector<1x16xf32>
        tpu.vector_store %arg7[%swap3A_241, %swap3A_242], %swap3A_245 {strides = array<i32>} : memref<240x128xf32, #tpu.memory_space<vmem>>, vector<1x16xf32>,
        %mul3A_246 = arith.mulf %parallel_loop3A_186#2, %div3A_234 : vector<16xf32>
        %swap3A_247 = arith.index_cast %while3A_155 : i32 to index
        %swap3A_248 = arith.constant 32 : index
        %swap3A_249 = tpu.vector_load %arg7[%swap3A_247, %swap3A_248] {strides = array<i32>} : memref<240x128xf32, #tpu.memory_space<vmem>>, vector<1x16xf32>,
        %swap3A_250 = vector.shape_cast %swap3A_249 : vector<1x16xf32> to vector<16xf32>
        %swap3A_251 = vector.shape_cast %mul3A_246 : vector<16xf32> to vector<1x16xf32>
        tpu.vector_store %arg7[%swap3A_247, %swap3A_248], %swap3A_251 {strides = array<i32>} : memref<240x128xf32, #tpu.memory_space<vmem>>, vector<1x16xf32>,
        %mul3A_252 = arith.mulf %parallel_loop3A_186#3, %div3A_234 : vector<16xf32>
        %swap3A_253 = arith.index_cast %while3A_155 : i32 to index
        %swap3A_254 = arith.constant 48 : index
        %swap3A_255 = tpu.vector_load %arg7[%swap3A_253, %swap3A_254] {strides = array<i32>} : memref<240x128xf32, #tpu.memory_space<vmem>>, vector<1x16xf32>,
        %swap3A_256 = vector.shape_cast %swap3A_255 : vector<1x16xf32> to vector<16xf32>
        %swap3A_257 = vector.shape_cast %mul3A_252 : vector<16xf32> to vector<1x16xf32>
        tpu.vector_store %arg7[%swap3A_253, %swap3A_254], %swap3A_257 {strides = array<i32>} : memref<240x128xf32, #tpu.memory_space<vmem>>, vector<1x16xf32>,
        %mul3A_258 = arith.mulf %parallel_loop3A_186#4, %div3A_234 : vector<16xf32>
        %swap3A_259 = arith.index_cast %while3A_155 : i32 to index
        %swap3A_260 = arith.constant 64 : index
        %swap3A_261 = tpu.vector_load %arg7[%swap3A_259, %swap3A_260] {strides = array<i32>} : memref<240x128xf32, #tpu.memory_space<vmem>>, vector<1x16xf32>,
        %swap3A_262 = vector.shape_cast %swap3A_261 : vector<1x16xf32> to vector<16xf32>
        %swap3A_263 = vector.shape_cast %mul3A_258 : vector<16xf32> to vector<1x16xf32>
        tpu.vector_store %arg7[%swap3A_259, %swap3A_260], %swap3A_263 {strides = array<i32>} : memref<240x128xf32, #tpu.memory_space<vmem>>, vector<1x16xf32>,
        %mul3A_264 = arith.mulf %parallel_loop3A_186#5, %div3A_234 : vector<16xf32>
        %swap3A_265 = arith.index_cast %while3A_155 : i32 to index
        %swap3A_266 = arith.constant 80 : index
        %swap3A_267 = tpu.vector_load %arg7[%swap3A_265, %swap3A_266] {strides = array<i32>} : memref<240x128xf32, #tpu.memory_space<vmem>>, vector<1x16xf32>,
        %swap3A_268 = vector.shape_cast %swap3A_267 : vector<1x16xf32> to vector<16xf32>
        %swap3A_269 = vector.shape_cast %mul3A_264 : vector<16xf32> to vector<1x16xf32>
        tpu.vector_store %arg7[%swap3A_265, %swap3A_266], %swap3A_269 {strides = array<i32>} : memref<240x128xf32, #tpu.memory_space<vmem>>, vector<1x16xf32>,
        %mul3A_270 = arith.mulf %parallel_loop3A_186#6, %div3A_234 : vector<16xf32>
        %swap3A_271 = arith.index_cast %while3A_155 : i32 to index
        %swap3A_272 = arith.constant 96 : index
        %swap3A_273 = tpu.vector_load %arg7[%swap3A_271, %swap3A_272] {strides = array<i32>} : memref<240x128xf32, #tpu.memory_space<vmem>>, vector<1x16xf32>,
        %swap3A_274 = vector.shape_cast %swap3A_273 : vector<1x16xf32> to vector<16xf32>
        %swap3A_275 = vector.shape_cast %mul3A_270 : vector<16xf32> to vector<1x16xf32>
        tpu.vector_store %arg7[%swap3A_271, %swap3A_272], %swap3A_275 {strides = array<i32>} : memref<240x128xf32, #tpu.memory_space<vmem>>, vector<1x16xf32>,
        %mul3A_276 = arith.mulf %parallel_loop3A_186#7, %div3A_234 : vector<16xf32>
        %swap3A_277 = arith.index_cast %while3A_155 : i32 to index
        %swap3A_278 = arith.constant 112 : index
        %swap3A_279 = tpu.vector_load %arg7[%swap3A_277, %swap3A_278] {strides = array<i32>} : memref<240x128xf32, #tpu.memory_space<vmem>>, vector<1x16xf32>,
        %swap3A_280 = vector.shape_cast %swap3A_279 : vector<1x16xf32> to vector<16xf32>
        %swap3A_281 = vector.shape_cast %mul3A_276 : vector<16xf32> to vector<1x16xf32>
        tpu.vector_store %arg7[%swap3A_277, %swap3A_278], %swap3A_281 {strides = array<i32>} : memref<240x128xf32, #tpu.memory_space<vmem>>, vector<1x16xf32>,
      } else {
      }
      %not3A = arith.constant true
      %not3A_190 = arith.xori %le3A, %not3A : i1
      %convert_element_type3A_191 = arith.extui %not3A_190 : i1 to i32
      %cond3A_192 = arith.constant 0 : i32
      %cond3A_193 = arith.cmpi ne, %convert_element_type3A_191, %cond3A_192 : i32
      scf.if %cond3A_193 {
        %add3A_224 = arith.constant 1 : i32
        %add3A_225 = arith.addi %while3A_156, %add3A_224 : i32
        %rem3A_226 = arith.constant 2 : i32
        %rem3A_227 = arith.remsi %add3A_225, %rem3A_226 : i32
        %mul3A_228 = arith.constant 320 : i32
        %mul3A_229 = arith.muli %add3A_225, %mul3A_228 : i32
        %add3A_230 = arith.addi %min3A_37, %mul3A_229 : i32
        %min3A_231 = arith.constant 319680 : i32
        %min3A_232 = arith.minsi %add3A_230, %min3A_231 : i32
        %dma_wait3A_233 = arith.constant 0 : i32
        %dma_wait3A_234 = arith.constant 0 : i32
        %dma_wait3A_235 = tpu.memref_slice %arg6[%rem3A_227, %dma_wait3A_233, %dma_wait3A_234] : memref<2x320x128xf32, #tpu.memory_space<vmem>> -> memref<1x320x128xf32, #tpu.memory_space<vmem>>
        %dma_wait3A_236 = tpu.memref_squeeze %dma_wait3A_235 : memref<1x320x128xf32, #tpu.memory_space<vmem>> -> memref<320x128xf32, #tpu.memory_space<vmem>>
        %dma_wait3A_237 = arith.constant 0 : i32
        %dma_wait3A_238 = tpu.memref_slice %arg2[%min3A_232, %dma_wait3A_237] : memref<320000x128xf32, #tpu.memory_space<hbm>> -> memref<320x128xf32, #tpu.memory_space<hbm>>
        %dma_wait3A_239 = tpu.memref_slice %arg8[%rem3A_227] : memref<2x!tpu.dma_semaphore, #tpu.memory_space<semaphore_mem>> -> memref<1x!tpu.dma_semaphore, #tpu.memory_space<semaphore_mem>>
        %dma_wait3A_240 = tpu.memref_squeeze %dma_wait3A_239 : memref<1x!tpu.dma_semaphore, #tpu.memory_space<semaphore_mem>> -> memref<!tpu.dma_semaphore, #tpu.memory_space<semaphore_mem>>
        %dma_wait3A_241 = arith.constant 0 : i32
        %dma_wait3A_242 = arith.constant 0 : i32
        %dma_wait3A_243 = tpu.memref_slice %arg6[%rem3A_227, %dma_wait3A_241, %dma_wait3A_242] : memref<2x320x128xf32, #tpu.memory_space<vmem>> -> memref<1x320x128xf32, #tpu.memory_space<vmem>>
        %dma_wait3A_244 = tpu.memref_squeeze %dma_wait3A_243 : memref<1x320x128xf32, #tpu.memory_space<vmem>> -> memref<320x128xf32, #tpu.memory_space<vmem>>
        %dma_wait3A_245 = arith.constant 0 : i32
        %dma_wait3A_246 = tpu.memref_slice %arg2[%min3A_232, %dma_wait3A_245] : memref<320000x128xf32, #tpu.memory_space<hbm>> -> memref<320x128xf32, #tpu.memory_space<hbm>>
        tpu.wait_dma2 semaphore(%dma_wait3A_240 : memref<!tpu.dma_semaphore, #tpu.memory_space<semaphore_mem>>) src(%dma_wait3A_246 : memref<320x128xf32, #tpu.memory_space<hbm>>) dst(%dma_wait3A_244 : memref<320x128xf32, #tpu.memory_space<vmem>>)
        %add3A_247 = arith.constant 2 : i32
        %add3A_248 = arith.addi %while3A_156, %add3A_247 : i32
        %lt3A_249 = arith.cmpi slt, %add3A_248, %max3A_67 : i32
        %convert_element_type3A_250 = arith.extui %lt3A_249 : i1 to i32
        %cond3A_251 = arith.constant 0 : i32
        %cond3A_252 = arith.cmpi ne, %convert_element_type3A_250, %cond3A_251 : i32
        scf.if %cond3A_252 {
          %add3A_253 = arith.constant 2 : i32
          %add3A_254 = arith.addi %while3A_156, %add3A_253 : i32
          %rem3A_255 = arith.constant 2 : i32
          %rem3A_256 = arith.remsi %add3A_254, %rem3A_255 : i32
          %mul3A_257 = arith.constant 320 : i32
          %mul3A_258 = arith.muli %add3A_254, %mul3A_257 : i32
          %add3A_259 = arith.addi %min3A_37, %mul3A_258 : i32
          %min3A_260 = arith.constant 319680 : i32
          %min3A_261 = arith.minsi %add3A_259, %min3A_260 : i32
          %dma_start3A_262 = arith.constant 0 : i32
          %dma_start3A_263 = arith.constant 0 : i32
          %dma_start3A_264 = tpu.memref_slice %arg6[%rem3A_256, %dma_start3A_262, %dma_start3A_263] : memref<2x320x128xf32, #tpu.memory_space<vmem>> -> memref<1x320x128xf32, #tpu.memory_space<vmem>>
          %dma_start3A_265 = tpu.memref_squeeze %dma_start3A_264 : memref<1x320x128xf32, #tpu.memory_space<vmem>> -> memref<320x128xf32, #tpu.memory_space<vmem>>
          %dma_start3A_266 = arith.constant 0 : i32
          %dma_start3A_267 = tpu.memref_slice %arg2[%min3A_261, %dma_start3A_266] : memref<320000x128xf32, #tpu.memory_space<hbm>> -> memref<320x128xf32, #tpu.memory_space<hbm>>
          %dma_start3A_268 = tpu.memref_slice %arg8[%rem3A_256] : memref<2x!tpu.dma_semaphore, #tpu.memory_space<semaphore_mem>> -> memref<1x!tpu.dma_semaphore, #tpu.memory_space<semaphore_mem>>
          %dma_start3A_269 = tpu.memref_squeeze %dma_start3A_268 : memref<1x!tpu.dma_semaphore, #tpu.memory_space<semaphore_mem>> -> memref<!tpu.dma_semaphore, #tpu.memory_space<semaphore_mem>>
          %dma_start3A_270 = arith.constant 0 : i32
          %dma_start3A_271 = arith.constant 0 : i32
          %dma_start3A_272 = tpu.memref_slice %arg6[%rem3A_256, %dma_start3A_270, %dma_start3A_271] : memref<2x320x128xf32, #tpu.memory_space<vmem>> -> memref<1x320x128xf32, #tpu.memory_space<vmem>>
          %dma_start3A_273 = tpu.memref_squeeze %dma_start3A_272 : memref<1x320x128xf32, #tpu.memory_space<vmem>> -> memref<320x128xf32, #tpu.memory_space<vmem>>
          %dma_start3A_274 = arith.constant 0 : i32
          %dma_start3A_275 = tpu.memref_slice %arg2[%min3A_261, %dma_start3A_274] : memref<320000x128xf32, #tpu.memory_space<hbm>> -> memref<320x128xf32, #tpu.memory_space<hbm>>
          tpu.enqueue_dma source(%dma_start3A_275 : memref<320x128xf32, #tpu.memory_space<hbm>>) target(%dma_start3A_273 : memref<320x128xf32, #tpu.memory_space<vmem>>) target_semaphore(%dma_start3A_269 : memref<!tpu.dma_semaphore, #tpu.memory_space<semaphore_mem>>)
        } else {
        }
      } else {
      }
      %add3A_194 = arith.constant 1 : i32
      %add3A_195 = arith.addi %while3A_155, %add3A_194 : i32
      %select_n3A_196 = arith.select %le3A, %add3A_195, %while3A_155 : i32
      %add3A_197 = arith.constant 1 : i32
      %add3A_198 = arith.addi %while3A_156, %add3A_197 : i32
      %select_n3A_199 = arith.select %le3A, %while3A_156, %add3A_198 : i32
      %broadcast_in_dim3A_200 = arith.constant 0.000000e+00 : f32
      %broadcast_in_dim3A_201 = vector.broadcast %broadcast_in_dim3A_200 : f32 to vector<16xf32>
      %select_n3A_202 = arith.select %le3A, %broadcast_in_dim3A_201, %parallel_loop3A_186#0 : vector<16xf32>
      %broadcast_in_dim3A_203 = arith.constant 0.000000e+00 : f32
      %broadcast_in_dim3A_204 = vector.broadcast %broadcast_in_dim3A_203 : f32 to vector<16xf32>
      %select_n3A_205 = arith.select %le3A, %broadcast_in_dim3A_204, %parallel_loop3A_186#1 : vector<16xf32>
      %broadcast_in_dim3A_206 = arith.constant 0.000000e+00 : f32
      %broadcast_in_dim3A_207 = vector.broadcast %broadcast_in_dim3A_206 : f32 to vector<16xf32>
      %select_n3A_208 = arith.select %le3A, %broadcast_in_dim3A_207, %parallel_loop3A_186#2 : vector<16xf32>
      %broadcast_in_dim3A_209 = arith.constant 0.000000e+00 : f32
      %broadcast_in_dim3A_210 = vector.broadcast %broadcast_in_dim3A_209 : f32 to vector<16xf32>
      %select_n3A_211 = arith.select %le3A, %broadcast_in_dim3A_210, %parallel_loop3A_186#3 : vector<16xf32>
      %broadcast_in_dim3A_212 = arith.constant 0.000000e+00 : f32
      %broadcast_in_dim3A_213 = vector.broadcast %broadcast_in_dim3A_212 : f32 to vector<16xf32>
      %select_n3A_214 = arith.select %le3A, %broadcast_in_dim3A_213, %parallel_loop3A_186#4 : vector<16xf32>
      %broadcast_in_dim3A_215 = arith.constant 0.000000e+00 : f32
      %broadcast_in_dim3A_216 = vector.broadcast %broadcast_in_dim3A_215 : f32 to vector<16xf32>
      %select_n3A_217 = arith.select %le3A, %broadcast_in_dim3A_216, %parallel_loop3A_186#5 : vector<16xf32>
      %broadcast_in_dim3A_218 = arith.constant 0.000000e+00 : f32
      %broadcast_in_dim3A_219 = vector.broadcast %broadcast_in_dim3A_218 : f32 to vector<16xf32>
      %select_n3A_220 = arith.select %le3A, %broadcast_in_dim3A_219, %parallel_loop3A_186#6 : vector<16xf32>
      %broadcast_in_dim3A_221 = arith.constant 0.000000e+00 : f32
      %broadcast_in_dim3A_222 = vector.broadcast %broadcast_in_dim3A_221 : f32 to vector<16xf32>
      %select_n3A_223 = arith.select %le3A, %broadcast_in_dim3A_222, %parallel_loop3A_186#7 : vector<16xf32>
      scf.yield %min3A_178, %select_n3A_196, %select_n3A_199, %select_n3A_202, %select_n3A_205, %select_n3A_208, %select_n3A_211, %select_n3A_214, %select_n3A_217, %select_n3A_220, %select_n3A_223 : i32, i32, i32, vector<16xf32>, vector<16xf32>, vector<16xf32>, vector<16xf32>, vector<16xf32>, vector<16xf32>, vector<16xf32>, vector<16xf32>
    }
    %lt3A_144 = arith.constant 2 : i32
    %lt3A_145 = arith.cmpi slt, %add3A, %lt3A_144 : i32
    %convert_element_type3A_146 = arith.extui %lt3A_145 : i1 to i32
    %cond3A_147 = arith.constant 0 : i32
    %cond3A_148 = arith.cmpi ne, %convert_element_type3A_146, %cond3A_147 : i32
    scf.if %cond3A_148 {
      "tpu.region"() ({
        %run_scoped3A = tpu.sem_alloc : memref<!tpu.dma_semaphore, #tpu.memory_space<semaphore_mem>>
        %dma_start3A_153 = arith.constant 0 : i32
        %dma_start3A_154 = arith.constant 0 : i32
        %dma_start3A_155 = tpu.memref_slice %arg7[%dma_start3A_153, %dma_start3A_154] : memref<240x128xf32, #tpu.memory_space<vmem>> -> memref<240x128xf32, #tpu.memory_space<vmem>>
        %dma_start3A_156 = arith.constant 0 : i32
        %dma_start3A_157 = tpu.memref_slice %arg4[%add3A_6, %dma_start3A_156] : memref<7440x128xf32, #tpu.memory_space<hbm>> -> memref<240x128xf32, #tpu.memory_space<hbm>>
        %dma_start3A_158 = arith.constant 0 : i32
        %dma_start3A_159 = tpu.memref_slice %arg4[%add3A_6, %dma_start3A_158] : memref<7440x128xf32, #tpu.memory_space<hbm>> -> memref<240x128xf32, #tpu.memory_space<hbm>>
        %dma_start3A_160 = arith.constant 0 : i32
        %dma_start3A_161 = arith.constant 0 : i32
        %dma_start3A_162 = tpu.memref_slice %arg7[%dma_start3A_160, %dma_start3A_161] : memref<240x128xf32, #tpu.memory_space<vmem>> -> memref<240x128xf32, #tpu.memory_space<vmem>>
        tpu.enqueue_dma source(%dma_start3A_162 : memref<240x128xf32, #tpu.memory_space<vmem>>) target(%dma_start3A_159 : memref<240x128xf32, #tpu.memory_space<hbm>>) target_semaphore(%run_scoped3A : memref<!tpu.dma_semaphore, #tpu.memory_space<semaphore_mem>>)
        %dma_wait3A_163 = arith.constant 0 : i32
        %dma_wait3A_164 = arith.constant 0 : i32
        %dma_wait3A_165 = tpu.memref_slice %arg7[%dma_wait3A_163, %dma_wait3A_164] : memref<240x128xf32, #tpu.memory_space<vmem>> -> memref<240x128xf32, #tpu.memory_space<vmem>>
        %dma_wait3A_166 = arith.constant 0 : i32
        %dma_wait3A_167 = tpu.memref_slice %arg4[%add3A_6, %dma_wait3A_166] : memref<7440x128xf32, #tpu.memory_space<hbm>> -> memref<240x128xf32, #tpu.memory_space<hbm>>
        %dma_wait3A_168 = arith.constant 0 : i32
        %dma_wait3A_169 = tpu.memref_slice %arg4[%add3A_6, %dma_wait3A_168] : memref<7440x128xf32, #tpu.memory_space<hbm>> -> memref<240x128xf32, #tpu.memory_space<hbm>>
        %dma_wait3A_170 = arith.constant 0 : i32
        %dma_wait3A_171 = arith.constant 0 : i32
        %dma_wait3A_172 = tpu.memref_slice %arg7[%dma_wait3A_170, %dma_wait3A_171] : memref<240x128xf32, #tpu.memory_space<vmem>> -> memref<240x128xf32, #tpu.memory_space<vmem>>
        tpu.wait_dma2 semaphore(%run_scoped3A : memref<!tpu.dma_semaphore, #tpu.memory_space<semaphore_mem>>) src(%dma_wait3A_172 : memref<240x128xf32, #tpu.memory_space<vmem>>) dst(%dma_wait3A_169 : memref<240x128xf32, #tpu.memory_space<hbm>>)
        tpu.yield
      }) : () -> ()
    } else {
    }
    %ge3A = arith.constant 2 : i32
    %ge3A_149 = arith.cmpi sge, %add3A, %ge3A : i32
    %convert_element_type3A_150 = arith.extui %ge3A_149 : i1 to i32
    %cond3A_151 = arith.constant 0 : i32
    %cond3A_152 = arith.cmpi ne, %convert_element_type3A_150, %cond3A_151 : i32
    scf.if %cond3A_152 {
      "tpu.region"() ({
        %run_scoped3A = tpu.sem_alloc : memref<!tpu.dma_semaphore, #tpu.memory_space<semaphore_mem>>
        %dma_start3A_153 = arith.constant 0 : i32
        %dma_start3A_154 = arith.constant 0 : i32
        %dma_start3A_155 = tpu.memref_slice %arg7[%dma_start3A_153, %dma_start3A_154] : memref<240x128xf32, #tpu.memory_space<vmem>> -> memref<232x128xf32, #tpu.memory_space<vmem>>
        %dma_start3A_156 = arith.constant 0 : i32
        %dma_start3A_157 = tpu.memref_slice %arg4[%add3A_6, %dma_start3A_156] : memref<7440x128xf32, #tpu.memory_space<hbm>> -> memref<232x128xf32, #tpu.memory_space<hbm>>
        %dma_start3A_158 = arith.constant 0 : i32
        %dma_start3A_159 = tpu.memref_slice %arg4[%add3A_6, %dma_start3A_158] : memref<7440x128xf32, #tpu.memory_space<hbm>> -> memref<232x128xf32, #tpu.memory_space<hbm>>
        %dma_start3A_160 = arith.constant 0 : i32
        %dma_start3A_161 = arith.constant 0 : i32
        %dma_start3A_162 = tpu.memref_slice %arg7[%dma_start3A_160, %dma_start3A_161] : memref<240x128xf32, #tpu.memory_space<vmem>> -> memref<232x128xf32, #tpu.memory_space<vmem>>
        tpu.enqueue_dma source(%dma_start3A_162 : memref<232x128xf32, #tpu.memory_space<vmem>>) target(%dma_start3A_159 : memref<232x128xf32, #tpu.memory_space<hbm>>) target_semaphore(%run_scoped3A : memref<!tpu.dma_semaphore, #tpu.memory_space<semaphore_mem>>)
        %dma_wait3A_163 = arith.constant 0 : i32
        %dma_wait3A_164 = arith.constant 0 : i32
        %dma_wait3A_165 = tpu.memref_slice %arg7[%dma_wait3A_163, %dma_wait3A_164] : memref<240x128xf32, #tpu.memory_space<vmem>> -> memref<232x128xf32, #tpu.memory_space<vmem>>
        %dma_wait3A_166 = arith.constant 0 : i32
        %dma_wait3A_167 = tpu.memref_slice %arg4[%add3A_6, %dma_wait3A_166] : memref<7440x128xf32, #tpu.memory_space<hbm>> -> memref<232x128xf32, #tpu.memory_space<hbm>>
        %dma_wait3A_168 = arith.constant 0 : i32
        %dma_wait3A_169 = tpu.memref_slice %arg4[%add3A_6, %dma_wait3A_168] : memref<7440x128xf32, #tpu.memory_space<hbm>> -> memref<232x128xf32, #tpu.memory_space<hbm>>
        %dma_wait3A_170 = arith.constant 0 : i32
        %dma_wait3A_171 = arith.constant 0 : i32
        %dma_wait3A_172 = tpu.memref_slice %arg7[%dma_wait3A_170, %dma_wait3A_171] : memref<240x128xf32, #tpu.memory_space<vmem>> -> memref<232x128xf32, #tpu.memory_space<vmem>>
        tpu.wait_dma2 semaphore(%run_scoped3A : memref<!tpu.dma_semaphore, #tpu.memory_space<semaphore_mem>>) src(%dma_wait3A_172 : memref<232x128xf32, #tpu.memory_space<vmem>>) dst(%dma_wait3A_169 : memref<232x128xf32, #tpu.memory_space<hbm>>)
        tpu.yield
      }) : () -> ()
    } else {
    }
    return
  }
}

module attributes {stable_mosaic.version = 14 : i64} {
  func.func @_tc_body(%arg0: i32, %arg1: memref<320000x128xf32, #tpu.memory_space<any>>, %arg2: memref<1x1x128xi32, #tpu.memory_space<vmem>>, %arg3: memref<1x1x128xi32, #tpu.memory_space<vmem>>, %arg4: memref<128x128xf32, #tpu.memory_space<vmem>>, %arg5: memref<8x512x128xf32, #tpu.memory_space<vmem>>, %arg6: memref<8x!tpu.dma_semaphore, #tpu.memory_space<semaphore_mem>>) attributes {dimension_semantics = [#tpu.dimension_semantics<arbitrary>], iteration_bounds = array<i64: 20>, scalar_prefetch = 0 : i64, scratch_operands = 2 : i64, tpu.core_type = #tpu.core_type<tc>, window_params = [{}, {transform_indices = @transform_1, window_bounds = array<i64: 1, 1, 128>}, {transform_indices = @transform_2, window_bounds = array<i64: 1, 1, 128>}, {transform_indices = @transform_3, window_bounds = array<i64: 128, 128>}]} {
    %get3A = arith.constant 0 : index
    %get3A_0 = arith.constant 0 : index
    %get3A_1 = arith.constant 0 : index
    %get3A_2 = vector.load %arg2[%get3A, %get3A_0, %get3A_1] : memref<1x1x128xi32, #tpu.memory_space<vmem>>, vector<1x1x128xi32>
    %get3A_3 = vector.shape_cast %get3A_2 : vector<1x1x128xi32> to vector<128xi32>
    %get3A_4 = arith.constant 0 : index
    %get3A_5 = arith.constant 0 : index
    %get3A_6 = arith.constant 0 : index
    %get3A_7 = vector.load %arg3[%get3A_4, %get3A_5, %get3A_6] : memref<1x1x128xi32, #tpu.memory_space<vmem>>, vector<1x1x128xi32>
    %get3A_8 = vector.shape_cast %get3A_7 : vector<1x1x128xi32> to vector<128xi32>
    %slice3A = vector.extract_strided_slice %get3A_3 {offsets = [0], sizes = [1], strides = [1]} : vector<128xi32> to vector<1xi32>
    %squeeze3A = vector.extract %slice3A[0] : i32 from vector<1xi32>
    %slice3A_9 = vector.extract_strided_slice %get3A_8 {offsets = [127], sizes = [1], strides = [1]} : vector<128xi32> to vector<1xi32>
    %squeeze3A_10 = vector.extract %slice3A_9[0] : i32 from vector<1xi32>
    %jit3A = arith.constant 8 : i32
    %div3A = arith.divsi %squeeze3A, %jit3A : i32
    %sign3A = arith.constant 0 : i32
    %sign3A_11 = arith.cmpi sgt, %squeeze3A, %sign3A : i32
    %sign3A_12 = arith.extui %sign3A_11 : i1 to i32
    %sign3A_13 = arith.constant 0 : i32
    %sign3A_14 = arith.cmpi slt, %squeeze3A, %sign3A_13 : i32
    %sign3A_15 = arith.extui %sign3A_14 : i1 to i32
    %sign3A_16 = arith.subi %sign3A_12, %sign3A_15 : i32
    %sign3A_17 = arith.constant 0 : i32
    %sign3A_18 = arith.cmpi sgt, %jit3A, %sign3A_17 : i32
    %sign3A_19 = arith.extui %sign3A_18 : i1 to i32
    %sign3A_20 = arith.constant 0 : i32
    %sign3A_21 = arith.cmpi slt, %jit3A, %sign3A_20 : i32
    %sign3A_22 = arith.extui %sign3A_21 : i1 to i32
    %sign3A_23 = arith.subi %sign3A_19, %sign3A_22 : i32
    %ne3A = arith.cmpi ne, %sign3A_16, %sign3A_23 : i32
    %rem3A = arith.remsi %squeeze3A, %jit3A : i32
    %ne3A_24 = arith.constant 0 : i32
    %ne3A_25 = arith.cmpi ne, %rem3A, %ne3A_24 : i32
    %and3A = arith.andi %ne3A, %ne3A_25 : i1
    %sub3A = arith.constant 1 : i32
    %sub3A_26 = arith.subi %div3A, %sub3A : i32
    %select_n3A = arith.select %and3A, %sub3A_26, %div3A : i32
    %mul3A = arith.constant 8 : i32
    %mul3A_27 = arith.muli %select_n3A, %mul3A : i32
    %min3A = arith.constant 319488 : i32
    %min3A_28 = arith.minsi %mul3A_27, %min3A : i32
    %sub3A_29 = arith.subi %squeeze3A_10, %min3A_28 : i32
    %add3A = arith.constant 512 : i32
    %add3A_30 = arith.addi %sub3A_29, %add3A : i32
    %sub3A_31 = arith.constant 1 : i32
    %sub3A_32 = arith.subi %add3A_30, %sub3A_31 : i32
    %jit3A_33 = arith.constant 512 : i32
    %div3A_34 = arith.divsi %sub3A_32, %jit3A_33 : i32
    %sign3A_35 = arith.constant 0 : i32
    %sign3A_36 = arith.cmpi sgt, %sub3A_32, %sign3A_35 : i32
    %sign3A_37 = arith.extui %sign3A_36 : i1 to i32
    %sign3A_38 = arith.constant 0 : i32
    %sign3A_39 = arith.cmpi slt, %sub3A_32, %sign3A_38 : i32
    %sign3A_40 = arith.extui %sign3A_39 : i1 to i32
    %sign3A_41 = arith.subi %sign3A_37, %sign3A_40 : i32
    %sign3A_42 = arith.constant 0 : i32
    %sign3A_43 = arith.cmpi sgt, %jit3A_33, %sign3A_42 : i32
    %sign3A_44 = arith.extui %sign3A_43 : i1 to i32
    %sign3A_45 = arith.constant 0 : i32
    %sign3A_46 = arith.cmpi slt, %jit3A_33, %sign3A_45 : i32
    %sign3A_47 = arith.extui %sign3A_46 : i1 to i32
    %sign3A_48 = arith.subi %sign3A_44, %sign3A_47 : i32
    %ne3A_49 = arith.cmpi ne, %sign3A_41, %sign3A_48 : i32
    %rem3A_50 = arith.remsi %sub3A_32, %jit3A_33 : i32
    %ne3A_51 = arith.constant 0 : i32
    %ne3A_52 = arith.cmpi ne, %rem3A_50, %ne3A_51 : i32
    %and3A_53 = arith.andi %ne3A_49, %ne3A_52 : i1
    %sub3A_54 = arith.constant 1 : i32
    %sub3A_55 = arith.subi %div3A_34, %sub3A_54 : i32
    %select_n3A_56 = arith.select %and3A_53, %sub3A_55, %div3A_34 : i32
    %max3A = arith.constant 0 : i32
    %max3A_57 = arith.maxsi %select_n3A_56, %max3A : i32
    %add3A_58 = arith.constant 3 : i32
    %add3A_59 = arith.addi %max3A_57, %add3A_58 : i32
    %jit3A_60 = arith.constant 4 : i32
    %div3A_61 = arith.divsi %add3A_59, %jit3A_60 : i32
    %sign3A_62 = arith.constant 0 : i32
    %sign3A_63 = arith.cmpi sgt, %add3A_59, %sign3A_62 : i32
    %sign3A_64 = arith.extui %sign3A_63 : i1 to i32
    %sign3A_65 = arith.constant 0 : i32
    %sign3A_66 = arith.cmpi slt, %add3A_59, %sign3A_65 : i32
    %sign3A_67 = arith.extui %sign3A_66 : i1 to i32
    %sign3A_68 = arith.subi %sign3A_64, %sign3A_67 : i32
    %sign3A_69 = arith.constant 0 : i32
    %sign3A_70 = arith.cmpi sgt, %jit3A_60, %sign3A_69 : i32
    %sign3A_71 = arith.extui %sign3A_70 : i1 to i32
    %sign3A_72 = arith.constant 0 : i32
    %sign3A_73 = arith.cmpi slt, %jit3A_60, %sign3A_72 : i32
    %sign3A_74 = arith.extui %sign3A_73 : i1 to i32
    %sign3A_75 = arith.subi %sign3A_71, %sign3A_74 : i32
    %ne3A_76 = arith.cmpi ne, %sign3A_68, %sign3A_75 : i32
    %rem3A_77 = arith.remsi %add3A_59, %jit3A_60 : i32
    %ne3A_78 = arith.constant 0 : i32
    %ne3A_79 = arith.cmpi ne, %rem3A_77, %ne3A_78 : i32
    %and3A_80 = arith.andi %ne3A_76, %ne3A_79 : i1
    %sub3A_81 = arith.constant 1 : i32
    %sub3A_82 = arith.subi %div3A_61, %sub3A_81 : i32
    %select_n3A_83 = arith.select %and3A_80, %sub3A_82, %div3A_61 : i32
    %mul3A_84 = arith.constant 4 : i32
    %mul3A_85 = arith.muli %mul3A_84, %select_n3A_83 : i32
    %gt3A = arith.constant 0 : i32
    %gt3A_86 = arith.cmpi sgt, %mul3A_85, %gt3A : i32
    %convert_element_type3A = arith.extui %gt3A_86 : i1 to i32
    %cond3A = arith.constant 0 : i32
    %cond3A_87 = arith.cmpi ne, %convert_element_type3A, %cond3A : i32
    scf.if %cond3A_87 {
      %rem3A_137 = arith.constant 0 : i32
      %rem3A_138 = arith.constant 8 : i32
      %rem3A_139 = arith.remsi %rem3A_137, %rem3A_138 : i32
      %mul3A_140 = arith.constant 0 : i32
      %mul3A_141 = arith.constant 512 : i32
      %mul3A_142 = arith.muli %mul3A_140, %mul3A_141 : i32
      %add3A_143 = arith.addi %min3A_28, %mul3A_142 : i32
      %min3A_144 = arith.constant 319488 : i32
      %min3A_145 = arith.minsi %add3A_143, %min3A_144 : i32
      %dma_start3A = tpu.memref_slice %arg6[%rem3A_139] : memref<8x!tpu.dma_semaphore, #tpu.memory_space<semaphore_mem>> -> memref<1x!tpu.dma_semaphore, #tpu.memory_space<semaphore_mem>>
      %dma_start3A_146 = tpu.memref_squeeze %dma_start3A : memref<1x!tpu.dma_semaphore, #tpu.memory_space<semaphore_mem>> -> memref<!tpu.dma_semaphore, #tpu.memory_space<semaphore_mem>>
      %dma_start3A_147 = arith.constant 0 : i32
      %dma_start3A_148 = arith.constant 0 : i32
      %dma_start3A_149 = tpu.memref_slice %arg5[%rem3A_139, %dma_start3A_147, %dma_start3A_148] : memref<8x512x128xf32, #tpu.memory_space<vmem>> -> memref<1x512x128xf32, #tpu.memory_space<vmem>>
      %dma_start3A_150 = tpu.memref_squeeze %dma_start3A_149 : memref<1x512x128xf32, #tpu.memory_space<vmem>> -> memref<512x128xf32, #tpu.memory_space<vmem>>
      %dma_start3A_151 = arith.constant 0 : i32
      %dma_start3A_152 = tpu.memref_slice %arg1[%min3A_145, %dma_start3A_151] : memref<320000x128xf32, #tpu.memory_space<any>> -> memref<512x128xf32, #tpu.memory_space<any>>
      tpu.enqueue_dma source(%dma_start3A_152 : memref<512x128xf32, #tpu.memory_space<any>>) target(%dma_start3A_150 : memref<512x128xf32, #tpu.memory_space<vmem>>) target_semaphore(%dma_start3A_146 : memref<!tpu.dma_semaphore, #tpu.memory_space<semaphore_mem>>)
    } else {
    }
    %gt3A_88 = arith.constant 1 : i32
    %gt3A_89 = arith.cmpi sgt, %mul3A_85, %gt3A_88 : i32
    %convert_element_type3A_90 = arith.extui %gt3A_89 : i1 to i32
    %cond3A_91 = arith.constant 0 : i32
    %cond3A_92 = arith.cmpi ne, %convert_element_type3A_90, %cond3A_91 : i32
    scf.if %cond3A_92 {
      %rem3A_137 = arith.constant 1 : i32
      %rem3A_138 = arith.constant 8 : i32
      %rem3A_139 = arith.remsi %rem3A_137, %rem3A_138 : i32
      %mul3A_140 = arith.constant 1 : i32
      %mul3A_141 = arith.constant 512 : i32
      %mul3A_142 = arith.muli %mul3A_140, %mul3A_141 : i32
      %add3A_143 = arith.addi %min3A_28, %mul3A_142 : i32
      %min3A_144 = arith.constant 319488 : i32
      %min3A_145 = arith.minsi %add3A_143, %min3A_144 : i32
      %dma_start3A = tpu.memref_slice %arg6[%rem3A_139] : memref<8x!tpu.dma_semaphore, #tpu.memory_space<semaphore_mem>> -> memref<1x!tpu.dma_semaphore, #tpu.memory_space<semaphore_mem>>
      %dma_start3A_146 = tpu.memref_squeeze %dma_start3A : memref<1x!tpu.dma_semaphore, #tpu.memory_space<semaphore_mem>> -> memref<!tpu.dma_semaphore, #tpu.memory_space<semaphore_mem>>
      %dma_start3A_147 = arith.constant 0 : i32
      %dma_start3A_148 = arith.constant 0 : i32
      %dma_start3A_149 = tpu.memref_slice %arg5[%rem3A_139, %dma_start3A_147, %dma_start3A_148] : memref<8x512x128xf32, #tpu.memory_space<vmem>> -> memref<1x512x128xf32, #tpu.memory_space<vmem>>
      %dma_start3A_150 = tpu.memref_squeeze %dma_start3A_149 : memref<1x512x128xf32, #tpu.memory_space<vmem>> -> memref<512x128xf32, #tpu.memory_space<vmem>>
      %dma_start3A_151 = arith.constant 0 : i32
      %dma_start3A_152 = tpu.memref_slice %arg1[%min3A_145, %dma_start3A_151] : memref<320000x128xf32, #tpu.memory_space<any>> -> memref<512x128xf32, #tpu.memory_space<any>>
      tpu.enqueue_dma source(%dma_start3A_152 : memref<512x128xf32, #tpu.memory_space<any>>) target(%dma_start3A_150 : memref<512x128xf32, #tpu.memory_space<vmem>>) target_semaphore(%dma_start3A_146 : memref<!tpu.dma_semaphore, #tpu.memory_space<semaphore_mem>>)
    } else {
    }
    %gt3A_93 = arith.constant 2 : i32
    %gt3A_94 = arith.cmpi sgt, %mul3A_85, %gt3A_93 : i32
    %convert_element_type3A_95 = arith.extui %gt3A_94 : i1 to i32
    %cond3A_96 = arith.constant 0 : i32
    %cond3A_97 = arith.cmpi ne, %convert_element_type3A_95, %cond3A_96 : i32
    scf.if %cond3A_97 {
      %rem3A_137 = arith.constant 2 : i32
      %rem3A_138 = arith.constant 8 : i32
      %rem3A_139 = arith.remsi %rem3A_137, %rem3A_138 : i32
      %mul3A_140 = arith.constant 2 : i32
      %mul3A_141 = arith.constant 512 : i32
      %mul3A_142 = arith.muli %mul3A_140, %mul3A_141 : i32
      %add3A_143 = arith.addi %min3A_28, %mul3A_142 : i32
      %min3A_144 = arith.constant 319488 : i32
      %min3A_145 = arith.minsi %add3A_143, %min3A_144 : i32
      %dma_start3A = tpu.memref_slice %arg6[%rem3A_139] : memref<8x!tpu.dma_semaphore, #tpu.memory_space<semaphore_mem>> -> memref<1x!tpu.dma_semaphore, #tpu.memory_space<semaphore_mem>>
      %dma_start3A_146 = tpu.memref_squeeze %dma_start3A : memref<1x!tpu.dma_semaphore, #tpu.memory_space<semaphore_mem>> -> memref<!tpu.dma_semaphore, #tpu.memory_space<semaphore_mem>>
      %dma_start3A_147 = arith.constant 0 : i32
      %dma_start3A_148 = arith.constant 0 : i32
      %dma_start3A_149 = tpu.memref_slice %arg5[%rem3A_139, %dma_start3A_147, %dma_start3A_148] : memref<8x512x128xf32, #tpu.memory_space<vmem>> -> memref<1x512x128xf32, #tpu.memory_space<vmem>>
      %dma_start3A_150 = tpu.memref_squeeze %dma_start3A_149 : memref<1x512x128xf32, #tpu.memory_space<vmem>> -> memref<512x128xf32, #tpu.memory_space<vmem>>
      %dma_start3A_151 = arith.constant 0 : i32
      %dma_start3A_152 = tpu.memref_slice %arg1[%min3A_145, %dma_start3A_151] : memref<320000x128xf32, #tpu.memory_space<any>> -> memref<512x128xf32, #tpu.memory_space<any>>
      tpu.enqueue_dma source(%dma_start3A_152 : memref<512x128xf32, #tpu.memory_space<any>>) target(%dma_start3A_150 : memref<512x128xf32, #tpu.memory_space<vmem>>) target_semaphore(%dma_start3A_146 : memref<!tpu.dma_semaphore, #tpu.memory_space<semaphore_mem>>)
    } else {
    }
    %gt3A_98 = arith.constant 3 : i32
    %gt3A_99 = arith.cmpi sgt, %mul3A_85, %gt3A_98 : i32
    %convert_element_type3A_100 = arith.extui %gt3A_99 : i1 to i32
    %cond3A_101 = arith.constant 0 : i32
    %cond3A_102 = arith.cmpi ne, %convert_element_type3A_100, %cond3A_101 : i32
    scf.if %cond3A_102 {
      %rem3A_137 = arith.constant 3 : i32
      %rem3A_138 = arith.constant 8 : i32
      %rem3A_139 = arith.remsi %rem3A_137, %rem3A_138 : i32
      %mul3A_140 = arith.constant 3 : i32
      %mul3A_141 = arith.constant 512 : i32
      %mul3A_142 = arith.muli %mul3A_140, %mul3A_141 : i32
      %add3A_143 = arith.addi %min3A_28, %mul3A_142 : i32
      %min3A_144 = arith.constant 319488 : i32
      %min3A_145 = arith.minsi %add3A_143, %min3A_144 : i32
      %dma_start3A = tpu.memref_slice %arg6[%rem3A_139] : memref<8x!tpu.dma_semaphore, #tpu.memory_space<semaphore_mem>> -> memref<1x!tpu.dma_semaphore, #tpu.memory_space<semaphore_mem>>
      %dma_start3A_146 = tpu.memref_squeeze %dma_start3A : memref<1x!tpu.dma_semaphore, #tpu.memory_space<semaphore_mem>> -> memref<!tpu.dma_semaphore, #tpu.memory_space<semaphore_mem>>
      %dma_start3A_147 = arith.constant 0 : i32
      %dma_start3A_148 = arith.constant 0 : i32
      %dma_start3A_149 = tpu.memref_slice %arg5[%rem3A_139, %dma_start3A_147, %dma_start3A_148] : memref<8x512x128xf32, #tpu.memory_space<vmem>> -> memref<1x512x128xf32, #tpu.memory_space<vmem>>
      %dma_start3A_150 = tpu.memref_squeeze %dma_start3A_149 : memref<1x512x128xf32, #tpu.memory_space<vmem>> -> memref<512x128xf32, #tpu.memory_space<vmem>>
      %dma_start3A_151 = arith.constant 0 : i32
      %dma_start3A_152 = tpu.memref_slice %arg1[%min3A_145, %dma_start3A_151] : memref<320000x128xf32, #tpu.memory_space<any>> -> memref<512x128xf32, #tpu.memory_space<any>>
      tpu.enqueue_dma source(%dma_start3A_152 : memref<512x128xf32, #tpu.memory_space<any>>) target(%dma_start3A_150 : memref<512x128xf32, #tpu.memory_space<vmem>>) target_semaphore(%dma_start3A_146 : memref<!tpu.dma_semaphore, #tpu.memory_space<semaphore_mem>>)
    } else {
    }
    %gt3A_103 = arith.constant 4 : i32
    %gt3A_104 = arith.cmpi sgt, %mul3A_85, %gt3A_103 : i32
    %convert_element_type3A_105 = arith.extui %gt3A_104 : i1 to i32
    %cond3A_106 = arith.constant 0 : i32
    %cond3A_107 = arith.cmpi ne, %convert_element_type3A_105, %cond3A_106 : i32
    scf.if %cond3A_107 {
      %rem3A_137 = arith.constant 4 : i32
      %rem3A_138 = arith.constant 8 : i32
      %rem3A_139 = arith.remsi %rem3A_137, %rem3A_138 : i32
      %mul3A_140 = arith.constant 4 : i32
      %mul3A_141 = arith.constant 512 : i32
      %mul3A_142 = arith.muli %mul3A_140, %mul3A_141 : i32
      %add3A_143 = arith.addi %min3A_28, %mul3A_142 : i32
      %min3A_144 = arith.constant 319488 : i32
      %min3A_145 = arith.minsi %add3A_143, %min3A_144 : i32
      %dma_start3A = tpu.memref_slice %arg6[%rem3A_139] : memref<8x!tpu.dma_semaphore, #tpu.memory_space<semaphore_mem>> -> memref<1x!tpu.dma_semaphore, #tpu.memory_space<semaphore_mem>>
      %dma_start3A_146 = tpu.memref_squeeze %dma_start3A : memref<1x!tpu.dma_semaphore, #tpu.memory_space<semaphore_mem>> -> memref<!tpu.dma_semaphore, #tpu.memory_space<semaphore_mem>>
      %dma_start3A_147 = arith.constant 0 : i32
      %dma_start3A_148 = arith.constant 0 : i32
      %dma_start3A_149 = tpu.memref_slice %arg5[%rem3A_139, %dma_start3A_147, %dma_start3A_148] : memref<8x512x128xf32, #tpu.memory_space<vmem>> -> memref<1x512x128xf32, #tpu.memory_space<vmem>>
      %dma_start3A_150 = tpu.memref_squeeze %dma_start3A_149 : memref<1x512x128xf32, #tpu.memory_space<vmem>> -> memref<512x128xf32, #tpu.memory_space<vmem>>
      %dma_start3A_151 = arith.constant 0 : i32
      %dma_start3A_152 = tpu.memref_slice %arg1[%min3A_145, %dma_start3A_151] : memref<320000x128xf32, #tpu.memory_space<any>> -> memref<512x128xf32, #tpu.memory_space<any>>
      tpu.enqueue_dma source(%dma_start3A_152 : memref<512x128xf32, #tpu.memory_space<any>>) target(%dma_start3A_150 : memref<512x128xf32, #tpu.memory_space<vmem>>) target_semaphore(%dma_start3A_146 : memref<!tpu.dma_semaphore, #tpu.memory_space<semaphore_mem>>)
    } else {
    }
    %gt3A_108 = arith.constant 5 : i32
    %gt3A_109 = arith.cmpi sgt, %mul3A_85, %gt3A_108 : i32
    %convert_element_type3A_110 = arith.extui %gt3A_109 : i1 to i32
    %cond3A_111 = arith.constant 0 : i32
    %cond3A_112 = arith.cmpi ne, %convert_element_type3A_110, %cond3A_111 : i32
    scf.if %cond3A_112 {
      %rem3A_137 = arith.constant 5 : i32
      %rem3A_138 = arith.constant 8 : i32
      %rem3A_139 = arith.remsi %rem3A_137, %rem3A_138 : i32
      %mul3A_140 = arith.constant 5 : i32
      %mul3A_141 = arith.constant 512 : i32
      %mul3A_142 = arith.muli %mul3A_140, %mul3A_141 : i32
      %add3A_143 = arith.addi %min3A_28, %mul3A_142 : i32
      %min3A_144 = arith.constant 319488 : i32
      %min3A_145 = arith.minsi %add3A_143, %min3A_144 : i32
      %dma_start3A = tpu.memref_slice %arg6[%rem3A_139] : memref<8x!tpu.dma_semaphore, #tpu.memory_space<semaphore_mem>> -> memref<1x!tpu.dma_semaphore, #tpu.memory_space<semaphore_mem>>
      %dma_start3A_146 = tpu.memref_squeeze %dma_start3A : memref<1x!tpu.dma_semaphore, #tpu.memory_space<semaphore_mem>> -> memref<!tpu.dma_semaphore, #tpu.memory_space<semaphore_mem>>
      %dma_start3A_147 = arith.constant 0 : i32
      %dma_start3A_148 = arith.constant 0 : i32
      %dma_start3A_149 = tpu.memref_slice %arg5[%rem3A_139, %dma_start3A_147, %dma_start3A_148] : memref<8x512x128xf32, #tpu.memory_space<vmem>> -> memref<1x512x128xf32, #tpu.memory_space<vmem>>
      %dma_start3A_150 = tpu.memref_squeeze %dma_start3A_149 : memref<1x512x128xf32, #tpu.memory_space<vmem>> -> memref<512x128xf32, #tpu.memory_space<vmem>>
      %dma_start3A_151 = arith.constant 0 : i32
      %dma_start3A_152 = tpu.memref_slice %arg1[%min3A_145, %dma_start3A_151] : memref<320000x128xf32, #tpu.memory_space<any>> -> memref<512x128xf32, #tpu.memory_space<any>>
      tpu.enqueue_dma source(%dma_start3A_152 : memref<512x128xf32, #tpu.memory_space<any>>) target(%dma_start3A_150 : memref<512x128xf32, #tpu.memory_space<vmem>>) target_semaphore(%dma_start3A_146 : memref<!tpu.dma_semaphore, #tpu.memory_space<semaphore_mem>>)
    } else {
    }
    %broadcast_in_dim3A = arith.constant 0.000000e+00 : f32
    %broadcast_in_dim3A_113 = vector.broadcast %broadcast_in_dim3A : f32 to vector<128x128xf32>
    %while3A = arith.constant 0 : i32
    %while3A_114 = arith.subi %select_n3A_83, %while3A : i32
    %while3A_115 = arith.addi %while3A, %while3A_114 : i32
    %while3A_116 = arith.constant 1 : i32
    %while3A_117 = arith.divsi %while3A_114, %while3A_116 : i32
    %while3A_118 = arith.muli %while3A_117, %while3A_116 : i32
    %while3A_119 = arith.addi %while3A, %while3A_118 : i32
    %while3A_120 = arith.constant 1 : i32
    %while3A_121:4 = scf.for %while3A_137 = %while3A to %while3A_119 step %while3A_120 iter_args(%while3A_138 = %broadcast_in_dim3A_113, %while3A_139 = %broadcast_in_dim3A_113, %while3A_140 = %broadcast_in_dim3A_113, %while3A_141 = %broadcast_in_dim3A_113) -> (vector<128x128xf32>, vector<128x128xf32>, vector<128x128xf32>, vector<128x128xf32>)  : i32 {
      %mul3A_142 = arith.constant 4 : i32
      %mul3A_143 = arith.muli %mul3A_142, %while3A_137 : i32
      %add3A_144 = arith.constant 0 : i32
      %add3A_145 = arith.addi %mul3A_143, %add3A_144 : i32
      %rem3A_146 = arith.constant 8 : i32
      %rem3A_147 = arith.remsi %add3A_145, %rem3A_146 : i32
      %mul3A_148 = arith.constant 512 : i32
      %mul3A_149 = arith.muli %add3A_145, %mul3A_148 : i32
      %add3A_150 = arith.addi %min3A_28, %mul3A_149 : i32
      %min3A_151 = arith.constant 319488 : i32
      %min3A_152 = arith.minsi %add3A_150, %min3A_151 : i32
      %rem3A_153 = arith.constant 8 : i32
      %rem3A_154 = arith.remsi %add3A_145, %rem3A_153 : i32
      %mul3A_155 = arith.constant 512 : i32
      %mul3A_156 = arith.muli %add3A_145, %mul3A_155 : i32
      %add3A_157 = arith.addi %min3A_28, %mul3A_156 : i32
      %min3A_158 = arith.constant 319488 : i32
      %min3A_159 = arith.minsi %add3A_157, %min3A_158 : i32
      %dma_wait3A = tpu.memref_slice %arg6[%rem3A_154] : memref<8x!tpu.dma_semaphore, #tpu.memory_space<semaphore_mem>> -> memref<1x!tpu.dma_semaphore, #tpu.memory_space<semaphore_mem>>
      %dma_wait3A_160 = tpu.memref_squeeze %dma_wait3A : memref<1x!tpu.dma_semaphore, #tpu.memory_space<semaphore_mem>> -> memref<!tpu.dma_semaphore, #tpu.memory_space<semaphore_mem>>
      %dma_wait3A_161 = arith.constant 0 : i32
      %dma_wait3A_162 = arith.constant 0 : i32
      %dma_wait3A_163 = tpu.memref_slice %arg5[%rem3A_154, %dma_wait3A_161, %dma_wait3A_162] : memref<8x512x128xf32, #tpu.memory_space<vmem>> -> memref<1x512x128xf32, #tpu.memory_space<vmem>>
      %dma_wait3A_164 = tpu.memref_squeeze %dma_wait3A_163 : memref<1x512x128xf32, #tpu.memory_space<vmem>> -> memref<512x128xf32, #tpu.memory_space<vmem>>
      %dma_wait3A_165 = arith.constant 0 : i32
      %dma_wait3A_166 = tpu.memref_slice %arg1[%min3A_159, %dma_wait3A_165] : memref<320000x128xf32, #tpu.memory_space<any>> -> memref<512x128xf32, #tpu.memory_space<any>>
      tpu.wait_dma2 semaphore(%dma_wait3A_160 : memref<!tpu.dma_semaphore, #tpu.memory_space<semaphore_mem>>) src(%dma_wait3A_166 : memref<512x128xf32, #tpu.memory_space<any>>) dst(%dma_wait3A_164 : memref<512x128xf32, #tpu.memory_space<vmem>>)
      %add3A_167 = arith.constant 6 : i32
      %add3A_168 = arith.addi %add3A_145, %add3A_167 : i32
      %lt3A = arith.cmpi slt, %add3A_168, %mul3A_85 : i32
      %convert_element_type3A_169 = arith.extui %lt3A : i1 to i32
      %cond3A_170 = arith.constant 0 : i32
      %cond3A_171 = arith.cmpi ne, %convert_element_type3A_169, %cond3A_170 : i32
      scf.if %cond3A_171 {
        %add3A_369 = arith.constant 6 : i32
        %add3A_370 = arith.addi %add3A_145, %add3A_369 : i32
        %rem3A_371 = arith.constant 8 : i32
        %rem3A_372 = arith.remsi %add3A_370, %rem3A_371 : i32
        %mul3A_373 = arith.constant 512 : i32
        %mul3A_374 = arith.muli %add3A_370, %mul3A_373 : i32
        %add3A_375 = arith.addi %min3A_28, %mul3A_374 : i32
        %min3A_376 = arith.constant 319488 : i32
        %min3A_377 = arith.minsi %add3A_375, %min3A_376 : i32
        %dma_start3A = tpu.memref_slice %arg6[%rem3A_372] : memref<8x!tpu.dma_semaphore, #tpu.memory_space<semaphore_mem>> -> memref<1x!tpu.dma_semaphore, #tpu.memory_space<semaphore_mem>>
        %dma_start3A_378 = tpu.memref_squeeze %dma_start3A : memref<1x!tpu.dma_semaphore, #tpu.memory_space<semaphore_mem>> -> memref<!tpu.dma_semaphore, #tpu.memory_space<semaphore_mem>>
        %dma_start3A_379 = arith.constant 0 : i32
        %dma_start3A_380 = arith.constant 0 : i32
        %dma_start3A_381 = tpu.memref_slice %arg5[%rem3A_372, %dma_start3A_379, %dma_start3A_380] : memref<8x512x128xf32, #tpu.memory_space<vmem>> -> memref<1x512x128xf32, #tpu.memory_space<vmem>>
        %dma_start3A_382 = tpu.memref_squeeze %dma_start3A_381 : memref<1x512x128xf32, #tpu.memory_space<vmem>> -> memref<512x128xf32, #tpu.memory_space<vmem>>
        %dma_start3A_383 = arith.constant 0 : i32
        %dma_start3A_384 = tpu.memref_slice %arg1[%min3A_377, %dma_start3A_383] : memref<320000x128xf32, #tpu.memory_space<any>> -> memref<512x128xf32, #tpu.memory_space<any>>
        tpu.enqueue_dma source(%dma_start3A_384 : memref<512x128xf32, #tpu.memory_space<any>>) target(%dma_start3A_382 : memref<512x128xf32, #tpu.memory_space<vmem>>) target_semaphore(%dma_start3A_378 : memref<!tpu.dma_semaphore, #tpu.memory_space<semaphore_mem>>)
      } else {
      }
      %get3A_172 = arith.index_cast %rem3A_147 : i32 to index
      %get3A_173 = arith.constant 0 : index
      %get3A_174 = arith.constant 0 : index
      %get3A_175 = vector.load %arg5[%get3A_172, %get3A_173, %get3A_174] : memref<8x512x128xf32, #tpu.memory_space<vmem>>, vector<1x512x128xf32>
      %get3A_176 = vector.shape_cast %get3A_175 : vector<1x512x128xf32> to vector<512x128xf32>
      %iota3A = tpu.iota {dimensions = array<i32: 0>} : vector<512x1xi32>
      %add3A_177 = vector.broadcast %min3A_152 : i32 to vector<512x1xi32>
      %add3A_178 = arith.addi %add3A_177, %iota3A : vector<512x1xi32>
      %max3A_179 = vector.broadcast %add3A_150 : i32 to vector<128xi32>
      %max3A_180 = arith.maxsi %get3A_3, %max3A_179 : vector<128xi32>
      %broadcast_in_dim3A_181 = vector.shape_cast %max3A_180 : vector<128xi32> to vector<1x128xi32>
      %ge3A = vector.broadcast %add3A_178 : vector<512x1xi32> to vector<512x128xi32>
      %ge3A_182 = vector.broadcast %broadcast_in_dim3A_181 : vector<1x128xi32> to vector<512x128xi32>
      %ge3A_183 = arith.cmpi sge, %ge3A, %ge3A_182 : vector<512x128xi32>
      %broadcast_in_dim3A_184 = vector.shape_cast %get3A_8 : vector<128xi32> to vector<1x128xi32>
      %lt3A_185 = vector.broadcast %add3A_178 : vector<512x1xi32> to vector<512x128xi32>
      %lt3A_186 = vector.broadcast %broadcast_in_dim3A_184 : vector<1x128xi32> to vector<512x128xi32>
      %lt3A_187 = arith.cmpi slt, %lt3A_185, %lt3A_186 : vector<512x128xi32>
      %and3A_188 = arith.andi %ge3A_183, %lt3A_187 : vector<512x128xi1>
      %convert_element_type3A_189 = arith.extui %and3A_188 : vector<512x128xi1> to vector<512x128xi32>
      %convert_element_type3A_190 = arith.sitofp %convert_element_type3A_189 : vector<512x128xi32> to vector<512x128xf32>
      %convert_element_type3A_191 = arith.truncf %convert_element_type3A_190 : vector<512x128xf32> to vector<512x128xbf16>
      %convert_element_type3A_192 = arith.truncf %get3A_176 : vector<512x128xf32> to vector<512x128xbf16>
      %dot_general3A = arith.constant dense<0.000000e+00> : vector<128x128xf32>
      %dot_general3A_193 = tpu.matmul %convert_element_type3A_191, %convert_element_type3A_192, %dot_general3A {dimension_numbers = #tpu.dot_dimension_numbers<[0], [0], [1], [1], [0, 1, 1, 1], [], []>, transpose_lhs_hint = false} : vector<512x128xbf16>, vector<512x128xbf16>, vector<128x128xf32> -> vector<128x128xf32>
      %add3A_194 = arith.addf %while3A_138, %dot_general3A_193 : vector<128x128xf32>
      %mul3A_195 = arith.constant 4 : i32
      %mul3A_196 = arith.muli %mul3A_195, %while3A_137 : i32
      %add3A_197 = arith.constant 1 : i32
      %add3A_198 = arith.addi %mul3A_196, %add3A_197 : i32
      %rem3A_199 = arith.constant 8 : i32
      %rem3A_200 = arith.remsi %add3A_198, %rem3A_199 : i32
      %mul3A_201 = arith.constant 512 : i32
      %mul3A_202 = arith.muli %add3A_198, %mul3A_201 : i32
      %add3A_203 = arith.addi %min3A_28, %mul3A_202 : i32
      %min3A_204 = arith.constant 319488 : i32
      %min3A_205 = arith.minsi %add3A_203, %min3A_204 : i32
      %rem3A_206 = arith.constant 8 : i32
      %rem3A_207 = arith.remsi %add3A_198, %rem3A_206 : i32
      %mul3A_208 = arith.constant 512 : i32
      %mul3A_209 = arith.muli %add3A_198, %mul3A_208 : i32
      %add3A_210 = arith.addi %min3A_28, %mul3A_209 : i32
      %min3A_211 = arith.constant 319488 : i32
      %min3A_212 = arith.minsi %add3A_210, %min3A_211 : i32
      %dma_wait3A_213 = tpu.memref_slice %arg6[%rem3A_207] : memref<8x!tpu.dma_semaphore, #tpu.memory_space<semaphore_mem>> -> memref<1x!tpu.dma_semaphore, #tpu.memory_space<semaphore_mem>>
      %dma_wait3A_214 = tpu.memref_squeeze %dma_wait3A_213 : memref<1x!tpu.dma_semaphore, #tpu.memory_space<semaphore_mem>> -> memref<!tpu.dma_semaphore, #tpu.memory_space<semaphore_mem>>
      %dma_wait3A_215 = arith.constant 0 : i32
      %dma_wait3A_216 = arith.constant 0 : i32
      %dma_wait3A_217 = tpu.memref_slice %arg5[%rem3A_207, %dma_wait3A_215, %dma_wait3A_216] : memref<8x512x128xf32, #tpu.memory_space<vmem>> -> memref<1x512x128xf32, #tpu.memory_space<vmem>>
      %dma_wait3A_218 = tpu.memref_squeeze %dma_wait3A_217 : memref<1x512x128xf32, #tpu.memory_space<vmem>> -> memref<512x128xf32, #tpu.memory_space<vmem>>
      %dma_wait3A_219 = arith.constant 0 : i32
      %dma_wait3A_220 = tpu.memref_slice %arg1[%min3A_212, %dma_wait3A_219] : memref<320000x128xf32, #tpu.memory_space<any>> -> memref<512x128xf32, #tpu.memory_space<any>>
      tpu.wait_dma2 semaphore(%dma_wait3A_214 : memref<!tpu.dma_semaphore, #tpu.memory_space<semaphore_mem>>) src(%dma_wait3A_220 : memref<512x128xf32, #tpu.memory_space<any>>) dst(%dma_wait3A_218 : memref<512x128xf32, #tpu.memory_space<vmem>>)
      %add3A_221 = arith.constant 6 : i32
      %add3A_222 = arith.addi %add3A_198, %add3A_221 : i32
      %lt3A_223 = arith.cmpi slt, %add3A_222, %mul3A_85 : i32
      %convert_element_type3A_224 = arith.extui %lt3A_223 : i1 to i32
      %cond3A_225 = arith.constant 0 : i32
      %cond3A_226 = arith.cmpi ne, %convert_element_type3A_224, %cond3A_225 : i32
      scf.if %cond3A_226 {
        %add3A_369 = arith.constant 6 : i32
        %add3A_370 = arith.addi %add3A_198, %add3A_369 : i32
        %rem3A_371 = arith.constant 8 : i32
        %rem3A_372 = arith.remsi %add3A_370, %rem3A_371 : i32
        %mul3A_373 = arith.constant 512 : i32
        %mul3A_374 = arith.muli %add3A_370, %mul3A_373 : i32
        %add3A_375 = arith.addi %min3A_28, %mul3A_374 : i32
        %min3A_376 = arith.constant 319488 : i32
        %min3A_377 = arith.minsi %add3A_375, %min3A_376 : i32
        %dma_start3A = tpu.memref_slice %arg6[%rem3A_372] : memref<8x!tpu.dma_semaphore, #tpu.memory_space<semaphore_mem>> -> memref<1x!tpu.dma_semaphore, #tpu.memory_space<semaphore_mem>>
        %dma_start3A_378 = tpu.memref_squeeze %dma_start3A : memref<1x!tpu.dma_semaphore, #tpu.memory_space<semaphore_mem>> -> memref<!tpu.dma_semaphore, #tpu.memory_space<semaphore_mem>>
        %dma_start3A_379 = arith.constant 0 : i32
        %dma_start3A_380 = arith.constant 0 : i32
        %dma_start3A_381 = tpu.memref_slice %arg5[%rem3A_372, %dma_start3A_379, %dma_start3A_380] : memref<8x512x128xf32, #tpu.memory_space<vmem>> -> memref<1x512x128xf32, #tpu.memory_space<vmem>>
        %dma_start3A_382 = tpu.memref_squeeze %dma_start3A_381 : memref<1x512x128xf32, #tpu.memory_space<vmem>> -> memref<512x128xf32, #tpu.memory_space<vmem>>
        %dma_start3A_383 = arith.constant 0 : i32
        %dma_start3A_384 = tpu.memref_slice %arg1[%min3A_377, %dma_start3A_383] : memref<320000x128xf32, #tpu.memory_space<any>> -> memref<512x128xf32, #tpu.memory_space<any>>
        tpu.enqueue_dma source(%dma_start3A_384 : memref<512x128xf32, #tpu.memory_space<any>>) target(%dma_start3A_382 : memref<512x128xf32, #tpu.memory_space<vmem>>) target_semaphore(%dma_start3A_378 : memref<!tpu.dma_semaphore, #tpu.memory_space<semaphore_mem>>)
      } else {
      }
      %get3A_227 = arith.index_cast %rem3A_200 : i32 to index
      %get3A_228 = arith.constant 0 : index
      %get3A_229 = arith.constant 0 : index
      %get3A_230 = vector.load %arg5[%get3A_227, %get3A_228, %get3A_229] : memref<8x512x128xf32, #tpu.memory_space<vmem>>, vector<1x512x128xf32>
      %get3A_231 = vector.shape_cast %get3A_230 : vector<1x512x128xf32> to vector<512x128xf32>
      %iota3A_232 = tpu.iota {dimensions = array<i32: 0>} : vector<512x1xi32>
      %add3A_233 = vector.broadcast %min3A_205 : i32 to vector<512x1xi32>
      %add3A_234 = arith.addi %add3A_233, %iota3A_232 : vector<512x1xi32>
      %max3A_235 = vector.broadcast %add3A_203 : i32 to vector<128xi32>
      %max3A_236 = arith.maxsi %get3A_3, %max3A_235 : vector<128xi32>
      %broadcast_in_dim3A_237 = vector.shape_cast %max3A_236 : vector<128xi32> to vector<1x128xi32>
      %ge3A_238 = vector.broadcast %add3A_234 : vector<512x1xi32> to vector<512x128xi32>
      %ge3A_239 = vector.broadcast %broadcast_in_dim3A_237 : vector<1x128xi32> to vector<512x128xi32>
      %ge3A_240 = arith.cmpi sge, %ge3A_238, %ge3A_239 : vector<512x128xi32>
      %broadcast_in_dim3A_241 = vector.shape_cast %get3A_8 : vector<128xi32> to vector<1x128xi32>
      %lt3A_242 = vector.broadcast %add3A_234 : vector<512x1xi32> to vector<512x128xi32>
      %lt3A_243 = vector.broadcast %broadcast_in_dim3A_241 : vector<1x128xi32> to vector<512x128xi32>
      %lt3A_244 = arith.cmpi slt, %lt3A_242, %lt3A_243 : vector<512x128xi32>
      %and3A_245 = arith.andi %ge3A_240, %lt3A_244 : vector<512x128xi1>
      %convert_element_type3A_246 = arith.extui %and3A_245 : vector<512x128xi1> to vector<512x128xi32>
      %convert_element_type3A_247 = arith.sitofp %convert_element_type3A_246 : vector<512x128xi32> to vector<512x128xf32>
      %convert_element_type3A_248 = arith.truncf %convert_element_type3A_247 : vector<512x128xf32> to vector<512x128xbf16>
      %convert_element_type3A_249 = arith.truncf %get3A_231 : vector<512x128xf32> to vector<512x128xbf16>
      %dot_general3A_250 = arith.constant dense<0.000000e+00> : vector<128x128xf32>
      %dot_general3A_251 = tpu.matmul %convert_element_type3A_248, %convert_element_type3A_249, %dot_general3A_250 {dimension_numbers = #tpu.dot_dimension_numbers<[0], [0], [1], [1], [0, 1, 1, 1], [], []>, transpose_lhs_hint = false} : vector<512x128xbf16>, vector<512x128xbf16>, vector<128x128xf32> -> vector<128x128xf32>
      %add3A_252 = arith.addf %while3A_139, %dot_general3A_251 : vector<128x128xf32>
      %mul3A_253 = arith.constant 4 : i32
      %mul3A_254 = arith.muli %mul3A_253, %while3A_137 : i32
      %add3A_255 = arith.constant 2 : i32
      %add3A_256 = arith.addi %mul3A_254, %add3A_255 : i32
      %rem3A_257 = arith.constant 8 : i32
      %rem3A_258 = arith.remsi %add3A_256, %rem3A_257 : i32
      %mul3A_259 = arith.constant 512 : i32
      %mul3A_260 = arith.muli %add3A_256, %mul3A_259 : i32
      %add3A_261 = arith.addi %min3A_28, %mul3A_260 : i32
      %min3A_262 = arith.constant 319488 : i32
      %min3A_263 = arith.minsi %add3A_261, %min3A_262 : i32
      %rem3A_264 = arith.constant 8 : i32
      %rem3A_265 = arith.remsi %add3A_256, %rem3A_264 : i32
      %mul3A_266 = arith.constant 512 : i32
      %mul3A_267 = arith.muli %add3A_256, %mul3A_266 : i32
      %add3A_268 = arith.addi %min3A_28, %mul3A_267 : i32
      %min3A_269 = arith.constant 319488 : i32
      %min3A_270 = arith.minsi %add3A_268, %min3A_269 : i32
      %dma_wait3A_271 = tpu.memref_slice %arg6[%rem3A_265] : memref<8x!tpu.dma_semaphore, #tpu.memory_space<semaphore_mem>> -> memref<1x!tpu.dma_semaphore, #tpu.memory_space<semaphore_mem>>
      %dma_wait3A_272 = tpu.memref_squeeze %dma_wait3A_271 : memref<1x!tpu.dma_semaphore, #tpu.memory_space<semaphore_mem>> -> memref<!tpu.dma_semaphore, #tpu.memory_space<semaphore_mem>>
      %dma_wait3A_273 = arith.constant 0 : i32
      %dma_wait3A_274 = arith.constant 0 : i32
      %dma_wait3A_275 = tpu.memref_slice %arg5[%rem3A_265, %dma_wait3A_273, %dma_wait3A_274] : memref<8x512x128xf32, #tpu.memory_space<vmem>> -> memref<1x512x128xf32, #tpu.memory_space<vmem>>
      %dma_wait3A_276 = tpu.memref_squeeze %dma_wait3A_275 : memref<1x512x128xf32, #tpu.memory_space<vmem>> -> memref<512x128xf32, #tpu.memory_space<vmem>>
      %dma_wait3A_277 = arith.constant 0 : i32
      %dma_wait3A_278 = tpu.memref_slice %arg1[%min3A_270, %dma_wait3A_277] : memref<320000x128xf32, #tpu.memory_space<any>> -> memref<512x128xf32, #tpu.memory_space<any>>
      tpu.wait_dma2 semaphore(%dma_wait3A_272 : memref<!tpu.dma_semaphore, #tpu.memory_space<semaphore_mem>>) src(%dma_wait3A_278 : memref<512x128xf32, #tpu.memory_space<any>>) dst(%dma_wait3A_276 : memref<512x128xf32, #tpu.memory_space<vmem>>)
      %add3A_279 = arith.constant 6 : i32
      %add3A_280 = arith.addi %add3A_256, %add3A_279 : i32
      %lt3A_281 = arith.cmpi slt, %add3A_280, %mul3A_85 : i32
      %convert_element_type3A_282 = arith.extui %lt3A_281 : i1 to i32
      %cond3A_283 = arith.constant 0 : i32
      %cond3A_284 = arith.cmpi ne, %convert_element_type3A_282, %cond3A_283 : i32
      scf.if %cond3A_284 {
        %add3A_369 = arith.constant 6 : i32
        %add3A_370 = arith.addi %add3A_256, %add3A_369 : i32
        %rem3A_371 = arith.constant 8 : i32
        %rem3A_372 = arith.remsi %add3A_370, %rem3A_371 : i32
        %mul3A_373 = arith.constant 512 : i32
        %mul3A_374 = arith.muli %add3A_370, %mul3A_373 : i32
        %add3A_375 = arith.addi %min3A_28, %mul3A_374 : i32
        %min3A_376 = arith.constant 319488 : i32
        %min3A_377 = arith.minsi %add3A_375, %min3A_376 : i32
        %dma_start3A = tpu.memref_slice %arg6[%rem3A_372] : memref<8x!tpu.dma_semaphore, #tpu.memory_space<semaphore_mem>> -> memref<1x!tpu.dma_semaphore, #tpu.memory_space<semaphore_mem>>
        %dma_start3A_378 = tpu.memref_squeeze %dma_start3A : memref<1x!tpu.dma_semaphore, #tpu.memory_space<semaphore_mem>> -> memref<!tpu.dma_semaphore, #tpu.memory_space<semaphore_mem>>
        %dma_start3A_379 = arith.constant 0 : i32
        %dma_start3A_380 = arith.constant 0 : i32
        %dma_start3A_381 = tpu.memref_slice %arg5[%rem3A_372, %dma_start3A_379, %dma_start3A_380] : memref<8x512x128xf32, #tpu.memory_space<vmem>> -> memref<1x512x128xf32, #tpu.memory_space<vmem>>
        %dma_start3A_382 = tpu.memref_squeeze %dma_start3A_381 : memref<1x512x128xf32, #tpu.memory_space<vmem>> -> memref<512x128xf32, #tpu.memory_space<vmem>>
        %dma_start3A_383 = arith.constant 0 : i32
        %dma_start3A_384 = tpu.memref_slice %arg1[%min3A_377, %dma_start3A_383] : memref<320000x128xf32, #tpu.memory_space<any>> -> memref<512x128xf32, #tpu.memory_space<any>>
        tpu.enqueue_dma source(%dma_start3A_384 : memref<512x128xf32, #tpu.memory_space<any>>) target(%dma_start3A_382 : memref<512x128xf32, #tpu.memory_space<vmem>>) target_semaphore(%dma_start3A_378 : memref<!tpu.dma_semaphore, #tpu.memory_space<semaphore_mem>>)
      } else {
      }
      %get3A_285 = arith.index_cast %rem3A_258 : i32 to index
      %get3A_286 = arith.constant 0 : index
      %get3A_287 = arith.constant 0 : index
      %get3A_288 = vector.load %arg5[%get3A_285, %get3A_286, %get3A_287] : memref<8x512x128xf32, #tpu.memory_space<vmem>>, vector<1x512x128xf32>
      %get3A_289 = vector.shape_cast %get3A_288 : vector<1x512x128xf32> to vector<512x128xf32>
      %iota3A_290 = tpu.iota {dimensions = array<i32: 0>} : vector<512x1xi32>
      %add3A_291 = vector.broadcast %min3A_263 : i32 to vector<512x1xi32>
      %add3A_292 = arith.addi %add3A_291, %iota3A_290 : vector<512x1xi32>
      %max3A_293 = vector.broadcast %add3A_261 : i32 to vector<128xi32>
      %max3A_294 = arith.maxsi %get3A_3, %max3A_293 : vector<128xi32>
      %broadcast_in_dim3A_295 = vector.shape_cast %max3A_294 : vector<128xi32> to vector<1x128xi32>
      %ge3A_296 = vector.broadcast %add3A_292 : vector<512x1xi32> to vector<512x128xi32>
      %ge3A_297 = vector.broadcast %broadcast_in_dim3A_295 : vector<1x128xi32> to vector<512x128xi32>
      %ge3A_298 = arith.cmpi sge, %ge3A_296, %ge3A_297 : vector<512x128xi32>
      %broadcast_in_dim3A_299 = vector.shape_cast %get3A_8 : vector<128xi32> to vector<1x128xi32>
      %lt3A_300 = vector.broadcast %add3A_292 : vector<512x1xi32> to vector<512x128xi32>
      %lt3A_301 = vector.broadcast %broadcast_in_dim3A_299 : vector<1x128xi32> to vector<512x128xi32>
      %lt3A_302 = arith.cmpi slt, %lt3A_300, %lt3A_301 : vector<512x128xi32>
      %and3A_303 = arith.andi %ge3A_298, %lt3A_302 : vector<512x128xi1>
      %convert_element_type3A_304 = arith.extui %and3A_303 : vector<512x128xi1> to vector<512x128xi32>
      %convert_element_type3A_305 = arith.sitofp %convert_element_type3A_304 : vector<512x128xi32> to vector<512x128xf32>
      %convert_element_type3A_306 = arith.truncf %convert_element_type3A_305 : vector<512x128xf32> to vector<512x128xbf16>
      %convert_element_type3A_307 = arith.truncf %get3A_289 : vector<512x128xf32> to vector<512x128xbf16>
      %dot_general3A_308 = arith.constant dense<0.000000e+00> : vector<128x128xf32>
      %dot_general3A_309 = tpu.matmul %convert_element_type3A_306, %convert_element_type3A_307, %dot_general3A_308 {dimension_numbers = #tpu.dot_dimension_numbers<[0], [0], [1], [1], [0, 1, 1, 1], [], []>, transpose_lhs_hint = false} : vector<512x128xbf16>, vector<512x128xbf16>, vector<128x128xf32> -> vector<128x128xf32>
      %add3A_310 = arith.addf %while3A_140, %dot_general3A_309 : vector<128x128xf32>
      %mul3A_311 = arith.constant 4 : i32
      %mul3A_312 = arith.muli %mul3A_311, %while3A_137 : i32
      %add3A_313 = arith.constant 3 : i32
      %add3A_314 = arith.addi %mul3A_312, %add3A_313 : i32
      %rem3A_315 = arith.constant 8 : i32
      %rem3A_316 = arith.remsi %add3A_314, %rem3A_315 : i32
      %mul3A_317 = arith.constant 512 : i32
      %mul3A_318 = arith.muli %add3A_314, %mul3A_317 : i32
      %add3A_319 = arith.addi %min3A_28, %mul3A_318 : i32
      %min3A_320 = arith.constant 319488 : i32
      %min3A_321 = arith.minsi %add3A_319, %min3A_320 : i32
      %rem3A_322 = arith.constant 8 : i32
      %rem3A_323 = arith.remsi %add3A_314, %rem3A_322 : i32
      %mul3A_324 = arith.constant 512 : i32
      %mul3A_325 = arith.muli %add3A_314, %mul3A_324 : i32
      %add3A_326 = arith.addi %min3A_28, %mul3A_325 : i32
      %min3A_327 = arith.constant 319488 : i32
      %min3A_328 = arith.minsi %add3A_326, %min3A_327 : i32
      %dma_wait3A_329 = tpu.memref_slice %arg6[%rem3A_323] : memref<8x!tpu.dma_semaphore, #tpu.memory_space<semaphore_mem>> -> memref<1x!tpu.dma_semaphore, #tpu.memory_space<semaphore_mem>>
      %dma_wait3A_330 = tpu.memref_squeeze %dma_wait3A_329 : memref<1x!tpu.dma_semaphore, #tpu.memory_space<semaphore_mem>> -> memref<!tpu.dma_semaphore, #tpu.memory_space<semaphore_mem>>
      %dma_wait3A_331 = arith.constant 0 : i32
      %dma_wait3A_332 = arith.constant 0 : i32
      %dma_wait3A_333 = tpu.memref_slice %arg5[%rem3A_323, %dma_wait3A_331, %dma_wait3A_332] : memref<8x512x128xf32, #tpu.memory_space<vmem>> -> memref<1x512x128xf32, #tpu.memory_space<vmem>>
      %dma_wait3A_334 = tpu.memref_squeeze %dma_wait3A_333 : memref<1x512x128xf32, #tpu.memory_space<vmem>> -> memref<512x128xf32, #tpu.memory_space<vmem>>
      %dma_wait3A_335 = arith.constant 0 : i32
      %dma_wait3A_336 = tpu.memref_slice %arg1[%min3A_328, %dma_wait3A_335] : memref<320000x128xf32, #tpu.memory_space<any>> -> memref<512x128xf32, #tpu.memory_space<any>>
      tpu.wait_dma2 semaphore(%dma_wait3A_330 : memref<!tpu.dma_semaphore, #tpu.memory_space<semaphore_mem>>) src(%dma_wait3A_336 : memref<512x128xf32, #tpu.memory_space<any>>) dst(%dma_wait3A_334 : memref<512x128xf32, #tpu.memory_space<vmem>>)
      %add3A_337 = arith.constant 6 : i32
      %add3A_338 = arith.addi %add3A_314, %add3A_337 : i32
      %lt3A_339 = arith.cmpi slt, %add3A_338, %mul3A_85 : i32
      %convert_element_type3A_340 = arith.extui %lt3A_339 : i1 to i32
      %cond3A_341 = arith.constant 0 : i32
      %cond3A_342 = arith.cmpi ne, %convert_element_type3A_340, %cond3A_341 : i32
      scf.if %cond3A_342 {
        %add3A_369 = arith.constant 6 : i32
        %add3A_370 = arith.addi %add3A_314, %add3A_369 : i32
        %rem3A_371 = arith.constant 8 : i32
        %rem3A_372 = arith.remsi %add3A_370, %rem3A_371 : i32
        %mul3A_373 = arith.constant 512 : i32
        %mul3A_374 = arith.muli %add3A_370, %mul3A_373 : i32
        %add3A_375 = arith.addi %min3A_28, %mul3A_374 : i32
        %min3A_376 = arith.constant 319488 : i32
        %min3A_377 = arith.minsi %add3A_375, %min3A_376 : i32
        %dma_start3A = tpu.memref_slice %arg6[%rem3A_372] : memref<8x!tpu.dma_semaphore, #tpu.memory_space<semaphore_mem>> -> memref<1x!tpu.dma_semaphore, #tpu.memory_space<semaphore_mem>>
        %dma_start3A_378 = tpu.memref_squeeze %dma_start3A : memref<1x!tpu.dma_semaphore, #tpu.memory_space<semaphore_mem>> -> memref<!tpu.dma_semaphore, #tpu.memory_space<semaphore_mem>>
        %dma_start3A_379 = arith.constant 0 : i32
        %dma_start3A_380 = arith.constant 0 : i32
        %dma_start3A_381 = tpu.memref_slice %arg5[%rem3A_372, %dma_start3A_379, %dma_start3A_380] : memref<8x512x128xf32, #tpu.memory_space<vmem>> -> memref<1x512x128xf32, #tpu.memory_space<vmem>>
        %dma_start3A_382 = tpu.memref_squeeze %dma_start3A_381 : memref<1x512x128xf32, #tpu.memory_space<vmem>> -> memref<512x128xf32, #tpu.memory_space<vmem>>
        %dma_start3A_383 = arith.constant 0 : i32
        %dma_start3A_384 = tpu.memref_slice %arg1[%min3A_377, %dma_start3A_383] : memref<320000x128xf32, #tpu.memory_space<any>> -> memref<512x128xf32, #tpu.memory_space<any>>
        tpu.enqueue_dma source(%dma_start3A_384 : memref<512x128xf32, #tpu.memory_space<any>>) target(%dma_start3A_382 : memref<512x128xf32, #tpu.memory_space<vmem>>) target_semaphore(%dma_start3A_378 : memref<!tpu.dma_semaphore, #tpu.memory_space<semaphore_mem>>)
      } else {
      }
      %get3A_343 = arith.index_cast %rem3A_316 : i32 to index
      %get3A_344 = arith.constant 0 : index
      %get3A_345 = arith.constant 0 : index
      %get3A_346 = vector.load %arg5[%get3A_343, %get3A_344, %get3A_345] : memref<8x512x128xf32, #tpu.memory_space<vmem>>, vector<1x512x128xf32>
      %get3A_347 = vector.shape_cast %get3A_346 : vector<1x512x128xf32> to vector<512x128xf32>
      %iota3A_348 = tpu.iota {dimensions = array<i32: 0>} : vector<512x1xi32>
      %add3A_349 = vector.broadcast %min3A_321 : i32 to vector<512x1xi32>
      %add3A_350 = arith.addi %add3A_349, %iota3A_348 : vector<512x1xi32>
      %max3A_351 = vector.broadcast %add3A_319 : i32 to vector<128xi32>
      %max3A_352 = arith.maxsi %get3A_3, %max3A_351 : vector<128xi32>
      %broadcast_in_dim3A_353 = vector.shape_cast %max3A_352 : vector<128xi32> to vector<1x128xi32>
      %ge3A_354 = vector.broadcast %add3A_350 : vector<512x1xi32> to vector<512x128xi32>
      %ge3A_355 = vector.broadcast %broadcast_in_dim3A_353 : vector<1x128xi32> to vector<512x128xi32>
      %ge3A_356 = arith.cmpi sge, %ge3A_354, %ge3A_355 : vector<512x128xi32>
      %broadcast_in_dim3A_357 = vector.shape_cast %get3A_8 : vector<128xi32> to vector<1x128xi32>
      %lt3A_358 = vector.broadcast %add3A_350 : vector<512x1xi32> to vector<512x128xi32>
      %lt3A_359 = vector.broadcast %broadcast_in_dim3A_357 : vector<1x128xi32> to vector<512x128xi32>
      %lt3A_360 = arith.cmpi slt, %lt3A_358, %lt3A_359 : vector<512x128xi32>
      %and3A_361 = arith.andi %ge3A_356, %lt3A_360 : vector<512x128xi1>
      %convert_element_type3A_362 = arith.extui %and3A_361 : vector<512x128xi1> to vector<512x128xi32>
      %convert_element_type3A_363 = arith.sitofp %convert_element_type3A_362 : vector<512x128xi32> to vector<512x128xf32>
      %convert_element_type3A_364 = arith.truncf %convert_element_type3A_363 : vector<512x128xf32> to vector<512x128xbf16>
      %convert_element_type3A_365 = arith.truncf %get3A_347 : vector<512x128xf32> to vector<512x128xbf16>
      %dot_general3A_366 = arith.constant dense<0.000000e+00> : vector<128x128xf32>
      %dot_general3A_367 = tpu.matmul %convert_element_type3A_364, %convert_element_type3A_365, %dot_general3A_366 {dimension_numbers = #tpu.dot_dimension_numbers<[0], [0], [1], [1], [0, 1, 1, 1], [], []>, transpose_lhs_hint = false} : vector<512x128xbf16>, vector<512x128xbf16>, vector<128x128xf32> -> vector<128x128xf32>
      %add3A_368 = arith.addf %while3A_141, %dot_general3A_367 : vector<128x128xf32>
      scf.yield %add3A_194, %add3A_252, %add3A_310, %add3A_368 : vector<128x128xf32>, vector<128x128xf32>, vector<128x128xf32>, vector<128x128xf32>
    }
    %while3A_122 = arith.constant 1 : i32
    %while3A_123:4 = scf.for %while3A_137 = %while3A_119 to %while3A_115 step %while3A_122 iter_args(%while3A_138 = %while3A_121#0, %while3A_139 = %while3A_121#1, %while3A_140 = %while3A_121#2, %while3A_141 = %while3A_121#3) -> (vector<128x128xf32>, vector<128x128xf32>, vector<128x128xf32>, vector<128x128xf32>)  : i32 {
      %mul3A_142 = arith.constant 4 : i32
      %mul3A_143 = arith.muli %mul3A_142, %while3A_137 : i32
      %add3A_144 = arith.constant 0 : i32
      %add3A_145 = arith.addi %mul3A_143, %add3A_144 : i32
      %rem3A_146 = arith.constant 8 : i32
      %rem3A_147 = arith.remsi %add3A_145, %rem3A_146 : i32
      %mul3A_148 = arith.constant 512 : i32
      %mul3A_149 = arith.muli %add3A_145, %mul3A_148 : i32
      %add3A_150 = arith.addi %min3A_28, %mul3A_149 : i32
      %min3A_151 = arith.constant 319488 : i32
      %min3A_152 = arith.minsi %add3A_150, %min3A_151 : i32
      %rem3A_153 = arith.constant 8 : i32
      %rem3A_154 = arith.remsi %add3A_145, %rem3A_153 : i32
      %mul3A_155 = arith.constant 512 : i32
      %mul3A_156 = arith.muli %add3A_145, %mul3A_155 : i32
      %add3A_157 = arith.addi %min3A_28, %mul3A_156 : i32
      %min3A_158 = arith.constant 319488 : i32
      %min3A_159 = arith.minsi %add3A_157, %min3A_158 : i32
      %dma_wait3A = tpu.memref_slice %arg6[%rem3A_154] : memref<8x!tpu.dma_semaphore, #tpu.memory_space<semaphore_mem>> -> memref<1x!tpu.dma_semaphore, #tpu.memory_space<semaphore_mem>>
      %dma_wait3A_160 = tpu.memref_squeeze %dma_wait3A : memref<1x!tpu.dma_semaphore, #tpu.memory_space<semaphore_mem>> -> memref<!tpu.dma_semaphore, #tpu.memory_space<semaphore_mem>>
      %dma_wait3A_161 = arith.constant 0 : i32
      %dma_wait3A_162 = arith.constant 0 : i32
      %dma_wait3A_163 = tpu.memref_slice %arg5[%rem3A_154, %dma_wait3A_161, %dma_wait3A_162] : memref<8x512x128xf32, #tpu.memory_space<vmem>> -> memref<1x512x128xf32, #tpu.memory_space<vmem>>
      %dma_wait3A_164 = tpu.memref_squeeze %dma_wait3A_163 : memref<1x512x128xf32, #tpu.memory_space<vmem>> -> memref<512x128xf32, #tpu.memory_space<vmem>>
      %dma_wait3A_165 = arith.constant 0 : i32
      %dma_wait3A_166 = tpu.memref_slice %arg1[%min3A_159, %dma_wait3A_165] : memref<320000x128xf32, #tpu.memory_space<any>> -> memref<512x128xf32, #tpu.memory_space<any>>
      tpu.wait_dma2 semaphore(%dma_wait3A_160 : memref<!tpu.dma_semaphore, #tpu.memory_space<semaphore_mem>>) src(%dma_wait3A_166 : memref<512x128xf32, #tpu.memory_space<any>>) dst(%dma_wait3A_164 : memref<512x128xf32, #tpu.memory_space<vmem>>)
      %add3A_167 = arith.constant 6 : i32
      %add3A_168 = arith.addi %add3A_145, %add3A_167 : i32
      %lt3A = arith.cmpi slt, %add3A_168, %mul3A_85 : i32
      %convert_element_type3A_169 = arith.extui %lt3A : i1 to i32
      %cond3A_170 = arith.constant 0 : i32
      %cond3A_171 = arith.cmpi ne, %convert_element_type3A_169, %cond3A_170 : i32
      scf.if %cond3A_171 {
        %add3A_369 = arith.constant 6 : i32
        %add3A_370 = arith.addi %add3A_145, %add3A_369 : i32
        %rem3A_371 = arith.constant 8 : i32
        %rem3A_372 = arith.remsi %add3A_370, %rem3A_371 : i32
        %mul3A_373 = arith.constant 512 : i32
        %mul3A_374 = arith.muli %add3A_370, %mul3A_373 : i32
        %add3A_375 = arith.addi %min3A_28, %mul3A_374 : i32
        %min3A_376 = arith.constant 319488 : i32
        %min3A_377 = arith.minsi %add3A_375, %min3A_376 : i32
        %dma_start3A = tpu.memref_slice %arg6[%rem3A_372] : memref<8x!tpu.dma_semaphore, #tpu.memory_space<semaphore_mem>> -> memref<1x!tpu.dma_semaphore, #tpu.memory_space<semaphore_mem>>
        %dma_start3A_378 = tpu.memref_squeeze %dma_start3A : memref<1x!tpu.dma_semaphore, #tpu.memory_space<semaphore_mem>> -> memref<!tpu.dma_semaphore, #tpu.memory_space<semaphore_mem>>
        %dma_start3A_379 = arith.constant 0 : i32
        %dma_start3A_380 = arith.constant 0 : i32
        %dma_start3A_381 = tpu.memref_slice %arg5[%rem3A_372, %dma_start3A_379, %dma_start3A_380] : memref<8x512x128xf32, #tpu.memory_space<vmem>> -> memref<1x512x128xf32, #tpu.memory_space<vmem>>
        %dma_start3A_382 = tpu.memref_squeeze %dma_start3A_381 : memref<1x512x128xf32, #tpu.memory_space<vmem>> -> memref<512x128xf32, #tpu.memory_space<vmem>>
        %dma_start3A_383 = arith.constant 0 : i32
        %dma_start3A_384 = tpu.memref_slice %arg1[%min3A_377, %dma_start3A_383] : memref<320000x128xf32, #tpu.memory_space<any>> -> memref<512x128xf32, #tpu.memory_space<any>>
        tpu.enqueue_dma source(%dma_start3A_384 : memref<512x128xf32, #tpu.memory_space<any>>) target(%dma_start3A_382 : memref<512x128xf32, #tpu.memory_space<vmem>>) target_semaphore(%dma_start3A_378 : memref<!tpu.dma_semaphore, #tpu.memory_space<semaphore_mem>>)
      } else {
      }
      %get3A_172 = arith.index_cast %rem3A_147 : i32 to index
      %get3A_173 = arith.constant 0 : index
      %get3A_174 = arith.constant 0 : index
      %get3A_175 = vector.load %arg5[%get3A_172, %get3A_173, %get3A_174] : memref<8x512x128xf32, #tpu.memory_space<vmem>>, vector<1x512x128xf32>
      %get3A_176 = vector.shape_cast %get3A_175 : vector<1x512x128xf32> to vector<512x128xf32>
      %iota3A = tpu.iota {dimensions = array<i32: 0>} : vector<512x1xi32>
      %add3A_177 = vector.broadcast %min3A_152 : i32 to vector<512x1xi32>
      %add3A_178 = arith.addi %add3A_177, %iota3A : vector<512x1xi32>
      %max3A_179 = vector.broadcast %add3A_150 : i32 to vector<128xi32>
      %max3A_180 = arith.maxsi %get3A_3, %max3A_179 : vector<128xi32>
      %broadcast_in_dim3A_181 = vector.shape_cast %max3A_180 : vector<128xi32> to vector<1x128xi32>
      %ge3A = vector.broadcast %add3A_178 : vector<512x1xi32> to vector<512x128xi32>
      %ge3A_182 = vector.broadcast %broadcast_in_dim3A_181 : vector<1x128xi32> to vector<512x128xi32>
      %ge3A_183 = arith.cmpi sge, %ge3A, %ge3A_182 : vector<512x128xi32>
      %broadcast_in_dim3A_184 = vector.shape_cast %get3A_8 : vector<128xi32> to vector<1x128xi32>
      %lt3A_185 = vector.broadcast %add3A_178 : vector<512x1xi32> to vector<512x128xi32>
      %lt3A_186 = vector.broadcast %broadcast_in_dim3A_184 : vector<1x128xi32> to vector<512x128xi32>
      %lt3A_187 = arith.cmpi slt, %lt3A_185, %lt3A_186 : vector<512x128xi32>
      %and3A_188 = arith.andi %ge3A_183, %lt3A_187 : vector<512x128xi1>
      %convert_element_type3A_189 = arith.extui %and3A_188 : vector<512x128xi1> to vector<512x128xi32>
      %convert_element_type3A_190 = arith.sitofp %convert_element_type3A_189 : vector<512x128xi32> to vector<512x128xf32>
      %convert_element_type3A_191 = arith.truncf %convert_element_type3A_190 : vector<512x128xf32> to vector<512x128xbf16>
      %convert_element_type3A_192 = arith.truncf %get3A_176 : vector<512x128xf32> to vector<512x128xbf16>
      %dot_general3A = arith.constant dense<0.000000e+00> : vector<128x128xf32>
      %dot_general3A_193 = tpu.matmul %convert_element_type3A_191, %convert_element_type3A_192, %dot_general3A {dimension_numbers = #tpu.dot_dimension_numbers<[0], [0], [1], [1], [0, 1, 1, 1], [], []>, transpose_lhs_hint = false} : vector<512x128xbf16>, vector<512x128xbf16>, vector<128x128xf32> -> vector<128x128xf32>
      %add3A_194 = arith.addf %while3A_138, %dot_general3A_193 : vector<128x128xf32>
      %mul3A_195 = arith.constant 4 : i32
      %mul3A_196 = arith.muli %mul3A_195, %while3A_137 : i32
      %add3A_197 = arith.constant 1 : i32
      %add3A_198 = arith.addi %mul3A_196, %add3A_197 : i32
      %rem3A_199 = arith.constant 8 : i32
      %rem3A_200 = arith.remsi %add3A_198, %rem3A_199 : i32
      %mul3A_201 = arith.constant 512 : i32
      %mul3A_202 = arith.muli %add3A_198, %mul3A_201 : i32
      %add3A_203 = arith.addi %min3A_28, %mul3A_202 : i32
      %min3A_204 = arith.constant 319488 : i32
      %min3A_205 = arith.minsi %add3A_203, %min3A_204 : i32
      %rem3A_206 = arith.constant 8 : i32
      %rem3A_207 = arith.remsi %add3A_198, %rem3A_206 : i32
      %mul3A_208 = arith.constant 512 : i32
      %mul3A_209 = arith.muli %add3A_198, %mul3A_208 : i32
      %add3A_210 = arith.addi %min3A_28, %mul3A_209 : i32
      %min3A_211 = arith.constant 319488 : i32
      %min3A_212 = arith.minsi %add3A_210, %min3A_211 : i32
      %dma_wait3A_213 = tpu.memref_slice %arg6[%rem3A_207] : memref<8x!tpu.dma_semaphore, #tpu.memory_space<semaphore_mem>> -> memref<1x!tpu.dma_semaphore, #tpu.memory_space<semaphore_mem>>
      %dma_wait3A_214 = tpu.memref_squeeze %dma_wait3A_213 : memref<1x!tpu.dma_semaphore, #tpu.memory_space<semaphore_mem>> -> memref<!tpu.dma_semaphore, #tpu.memory_space<semaphore_mem>>
      %dma_wait3A_215 = arith.constant 0 : i32
      %dma_wait3A_216 = arith.constant 0 : i32
      %dma_wait3A_217 = tpu.memref_slice %arg5[%rem3A_207, %dma_wait3A_215, %dma_wait3A_216] : memref<8x512x128xf32, #tpu.memory_space<vmem>> -> memref<1x512x128xf32, #tpu.memory_space<vmem>>
      %dma_wait3A_218 = tpu.memref_squeeze %dma_wait3A_217 : memref<1x512x128xf32, #tpu.memory_space<vmem>> -> memref<512x128xf32, #tpu.memory_space<vmem>>
      %dma_wait3A_219 = arith.constant 0 : i32
      %dma_wait3A_220 = tpu.memref_slice %arg1[%min3A_212, %dma_wait3A_219] : memref<320000x128xf32, #tpu.memory_space<any>> -> memref<512x128xf32, #tpu.memory_space<any>>
      tpu.wait_dma2 semaphore(%dma_wait3A_214 : memref<!tpu.dma_semaphore, #tpu.memory_space<semaphore_mem>>) src(%dma_wait3A_220 : memref<512x128xf32, #tpu.memory_space<any>>) dst(%dma_wait3A_218 : memref<512x128xf32, #tpu.memory_space<vmem>>)
      %add3A_221 = arith.constant 6 : i32
      %add3A_222 = arith.addi %add3A_198, %add3A_221 : i32
      %lt3A_223 = arith.cmpi slt, %add3A_222, %mul3A_85 : i32
      %convert_element_type3A_224 = arith.extui %lt3A_223 : i1 to i32
      %cond3A_225 = arith.constant 0 : i32
      %cond3A_226 = arith.cmpi ne, %convert_element_type3A_224, %cond3A_225 : i32
      scf.if %cond3A_226 {
        %add3A_369 = arith.constant 6 : i32
        %add3A_370 = arith.addi %add3A_198, %add3A_369 : i32
        %rem3A_371 = arith.constant 8 : i32
        %rem3A_372 = arith.remsi %add3A_370, %rem3A_371 : i32
        %mul3A_373 = arith.constant 512 : i32
        %mul3A_374 = arith.muli %add3A_370, %mul3A_373 : i32
        %add3A_375 = arith.addi %min3A_28, %mul3A_374 : i32
        %min3A_376 = arith.constant 319488 : i32
        %min3A_377 = arith.minsi %add3A_375, %min3A_376 : i32
        %dma_start3A = tpu.memref_slice %arg6[%rem3A_372] : memref<8x!tpu.dma_semaphore, #tpu.memory_space<semaphore_mem>> -> memref<1x!tpu.dma_semaphore, #tpu.memory_space<semaphore_mem>>
        %dma_start3A_378 = tpu.memref_squeeze %dma_start3A : memref<1x!tpu.dma_semaphore, #tpu.memory_space<semaphore_mem>> -> memref<!tpu.dma_semaphore, #tpu.memory_space<semaphore_mem>>
        %dma_start3A_379 = arith.constant 0 : i32
        %dma_start3A_380 = arith.constant 0 : i32
        %dma_start3A_381 = tpu.memref_slice %arg5[%rem3A_372, %dma_start3A_379, %dma_start3A_380] : memref<8x512x128xf32, #tpu.memory_space<vmem>> -> memref<1x512x128xf32, #tpu.memory_space<vmem>>
        %dma_start3A_382 = tpu.memref_squeeze %dma_start3A_381 : memref<1x512x128xf32, #tpu.memory_space<vmem>> -> memref<512x128xf32, #tpu.memory_space<vmem>>
        %dma_start3A_383 = arith.constant 0 : i32
        %dma_start3A_384 = tpu.memref_slice %arg1[%min3A_377, %dma_start3A_383] : memref<320000x128xf32, #tpu.memory_space<any>> -> memref<512x128xf32, #tpu.memory_space<any>>
        tpu.enqueue_dma source(%dma_start3A_384 : memref<512x128xf32, #tpu.memory_space<any>>) target(%dma_start3A_382 : memref<512x128xf32, #tpu.memory_space<vmem>>) target_semaphore(%dma_start3A_378 : memref<!tpu.dma_semaphore, #tpu.memory_space<semaphore_mem>>)
      } else {
      }
      %get3A_227 = arith.index_cast %rem3A_200 : i32 to index
      %get3A_228 = arith.constant 0 : index
      %get3A_229 = arith.constant 0 : index
      %get3A_230 = vector.load %arg5[%get3A_227, %get3A_228, %get3A_229] : memref<8x512x128xf32, #tpu.memory_space<vmem>>, vector<1x512x128xf32>
      %get3A_231 = vector.shape_cast %get3A_230 : vector<1x512x128xf32> to vector<512x128xf32>
      %iota3A_232 = tpu.iota {dimensions = array<i32: 0>} : vector<512x1xi32>
      %add3A_233 = vector.broadcast %min3A_205 : i32 to vector<512x1xi32>
      %add3A_234 = arith.addi %add3A_233, %iota3A_232 : vector<512x1xi32>
      %max3A_235 = vector.broadcast %add3A_203 : i32 to vector<128xi32>
      %max3A_236 = arith.maxsi %get3A_3, %max3A_235 : vector<128xi32>
      %broadcast_in_dim3A_237 = vector.shape_cast %max3A_236 : vector<128xi32> to vector<1x128xi32>
      %ge3A_238 = vector.broadcast %add3A_234 : vector<512x1xi32> to vector<512x128xi32>
      %ge3A_239 = vector.broadcast %broadcast_in_dim3A_237 : vector<1x128xi32> to vector<512x128xi32>
      %ge3A_240 = arith.cmpi sge, %ge3A_238, %ge3A_239 : vector<512x128xi32>
      %broadcast_in_dim3A_241 = vector.shape_cast %get3A_8 : vector<128xi32> to vector<1x128xi32>
      %lt3A_242 = vector.broadcast %add3A_234 : vector<512x1xi32> to vector<512x128xi32>
      %lt3A_243 = vector.broadcast %broadcast_in_dim3A_241 : vector<1x128xi32> to vector<512x128xi32>
      %lt3A_244 = arith.cmpi slt, %lt3A_242, %lt3A_243 : vector<512x128xi32>
      %and3A_245 = arith.andi %ge3A_240, %lt3A_244 : vector<512x128xi1>
      %convert_element_type3A_246 = arith.extui %and3A_245 : vector<512x128xi1> to vector<512x128xi32>
      %convert_element_type3A_247 = arith.sitofp %convert_element_type3A_246 : vector<512x128xi32> to vector<512x128xf32>
      %convert_element_type3A_248 = arith.truncf %convert_element_type3A_247 : vector<512x128xf32> to vector<512x128xbf16>
      %convert_element_type3A_249 = arith.truncf %get3A_231 : vector<512x128xf32> to vector<512x128xbf16>
      %dot_general3A_250 = arith.constant dense<0.000000e+00> : vector<128x128xf32>
      %dot_general3A_251 = tpu.matmul %convert_element_type3A_248, %convert_element_type3A_249, %dot_general3A_250 {dimension_numbers = #tpu.dot_dimension_numbers<[0], [0], [1], [1], [0, 1, 1, 1], [], []>, transpose_lhs_hint = false} : vector<512x128xbf16>, vector<512x128xbf16>, vector<128x128xf32> -> vector<128x128xf32>
      %add3A_252 = arith.addf %while3A_139, %dot_general3A_251 : vector<128x128xf32>
      %mul3A_253 = arith.constant 4 : i32
      %mul3A_254 = arith.muli %mul3A_253, %while3A_137 : i32
      %add3A_255 = arith.constant 2 : i32
      %add3A_256 = arith.addi %mul3A_254, %add3A_255 : i32
      %rem3A_257 = arith.constant 8 : i32
      %rem3A_258 = arith.remsi %add3A_256, %rem3A_257 : i32
      %mul3A_259 = arith.constant 512 : i32
      %mul3A_260 = arith.muli %add3A_256, %mul3A_259 : i32
      %add3A_261 = arith.addi %min3A_28, %mul3A_260 : i32
      %min3A_262 = arith.constant 319488 : i32
      %min3A_263 = arith.minsi %add3A_261, %min3A_262 : i32
      %rem3A_264 = arith.constant 8 : i32
      %rem3A_265 = arith.remsi %add3A_256, %rem3A_264 : i32
      %mul3A_266 = arith.constant 512 : i32
      %mul3A_267 = arith.muli %add3A_256, %mul3A_266 : i32
      %add3A_268 = arith.addi %min3A_28, %mul3A_267 : i32
      %min3A_269 = arith.constant 319488 : i32
      %min3A_270 = arith.minsi %add3A_268, %min3A_269 : i32
      %dma_wait3A_271 = tpu.memref_slice %arg6[%rem3A_265] : memref<8x!tpu.dma_semaphore, #tpu.memory_space<semaphore_mem>> -> memref<1x!tpu.dma_semaphore, #tpu.memory_space<semaphore_mem>>
      %dma_wait3A_272 = tpu.memref_squeeze %dma_wait3A_271 : memref<1x!tpu.dma_semaphore, #tpu.memory_space<semaphore_mem>> -> memref<!tpu.dma_semaphore, #tpu.memory_space<semaphore_mem>>
      %dma_wait3A_273 = arith.constant 0 : i32
      %dma_wait3A_274 = arith.constant 0 : i32
      %dma_wait3A_275 = tpu.memref_slice %arg5[%rem3A_265, %dma_wait3A_273, %dma_wait3A_274] : memref<8x512x128xf32, #tpu.memory_space<vmem>> -> memref<1x512x128xf32, #tpu.memory_space<vmem>>
      %dma_wait3A_276 = tpu.memref_squeeze %dma_wait3A_275 : memref<1x512x128xf32, #tpu.memory_space<vmem>> -> memref<512x128xf32, #tpu.memory_space<vmem>>
      %dma_wait3A_277 = arith.constant 0 : i32
      %dma_wait3A_278 = tpu.memref_slice %arg1[%min3A_270, %dma_wait3A_277] : memref<320000x128xf32, #tpu.memory_space<any>> -> memref<512x128xf32, #tpu.memory_space<any>>
      tpu.wait_dma2 semaphore(%dma_wait3A_272 : memref<!tpu.dma_semaphore, #tpu.memory_space<semaphore_mem>>) src(%dma_wait3A_278 : memref<512x128xf32, #tpu.memory_space<any>>) dst(%dma_wait3A_276 : memref<512x128xf32, #tpu.memory_space<vmem>>)
      %add3A_279 = arith.constant 6 : i32
      %add3A_280 = arith.addi %add3A_256, %add3A_279 : i32
      %lt3A_281 = arith.cmpi slt, %add3A_280, %mul3A_85 : i32
      %convert_element_type3A_282 = arith.extui %lt3A_281 : i1 to i32
      %cond3A_283 = arith.constant 0 : i32
      %cond3A_284 = arith.cmpi ne, %convert_element_type3A_282, %cond3A_283 : i32
      scf.if %cond3A_284 {
        %add3A_369 = arith.constant 6 : i32
        %add3A_370 = arith.addi %add3A_256, %add3A_369 : i32
        %rem3A_371 = arith.constant 8 : i32
        %rem3A_372 = arith.remsi %add3A_370, %rem3A_371 : i32
        %mul3A_373 = arith.constant 512 : i32
        %mul3A_374 = arith.muli %add3A_370, %mul3A_373 : i32
        %add3A_375 = arith.addi %min3A_28, %mul3A_374 : i32
        %min3A_376 = arith.constant 319488 : i32
        %min3A_377 = arith.minsi %add3A_375, %min3A_376 : i32
        %dma_start3A = tpu.memref_slice %arg6[%rem3A_372] : memref<8x!tpu.dma_semaphore, #tpu.memory_space<semaphore_mem>> -> memref<1x!tpu.dma_semaphore, #tpu.memory_space<semaphore_mem>>
        %dma_start3A_378 = tpu.memref_squeeze %dma_start3A : memref<1x!tpu.dma_semaphore, #tpu.memory_space<semaphore_mem>> -> memref<!tpu.dma_semaphore, #tpu.memory_space<semaphore_mem>>
        %dma_start3A_379 = arith.constant 0 : i32
        %dma_start3A_380 = arith.constant 0 : i32
        %dma_start3A_381 = tpu.memref_slice %arg5[%rem3A_372, %dma_start3A_379, %dma_start3A_380] : memref<8x512x128xf32, #tpu.memory_space<vmem>> -> memref<1x512x128xf32, #tpu.memory_space<vmem>>
        %dma_start3A_382 = tpu.memref_squeeze %dma_start3A_381 : memref<1x512x128xf32, #tpu.memory_space<vmem>> -> memref<512x128xf32, #tpu.memory_space<vmem>>
        %dma_start3A_383 = arith.constant 0 : i32
        %dma_start3A_384 = tpu.memref_slice %arg1[%min3A_377, %dma_start3A_383] : memref<320000x128xf32, #tpu.memory_space<any>> -> memref<512x128xf32, #tpu.memory_space<any>>
        tpu.enqueue_dma source(%dma_start3A_384 : memref<512x128xf32, #tpu.memory_space<any>>) target(%dma_start3A_382 : memref<512x128xf32, #tpu.memory_space<vmem>>) target_semaphore(%dma_start3A_378 : memref<!tpu.dma_semaphore, #tpu.memory_space<semaphore_mem>>)
      } else {
      }
      %get3A_285 = arith.index_cast %rem3A_258 : i32 to index
      %get3A_286 = arith.constant 0 : index
      %get3A_287 = arith.constant 0 : index
      %get3A_288 = vector.load %arg5[%get3A_285, %get3A_286, %get3A_287] : memref<8x512x128xf32, #tpu.memory_space<vmem>>, vector<1x512x128xf32>
      %get3A_289 = vector.shape_cast %get3A_288 : vector<1x512x128xf32> to vector<512x128xf32>
      %iota3A_290 = tpu.iota {dimensions = array<i32: 0>} : vector<512x1xi32>
      %add3A_291 = vector.broadcast %min3A_263 : i32 to vector<512x1xi32>
      %add3A_292 = arith.addi %add3A_291, %iota3A_290 : vector<512x1xi32>
      %max3A_293 = vector.broadcast %add3A_261 : i32 to vector<128xi32>
      %max3A_294 = arith.maxsi %get3A_3, %max3A_293 : vector<128xi32>
      %broadcast_in_dim3A_295 = vector.shape_cast %max3A_294 : vector<128xi32> to vector<1x128xi32>
      %ge3A_296 = vector.broadcast %add3A_292 : vector<512x1xi32> to vector<512x128xi32>
      %ge3A_297 = vector.broadcast %broadcast_in_dim3A_295 : vector<1x128xi32> to vector<512x128xi32>
      %ge3A_298 = arith.cmpi sge, %ge3A_296, %ge3A_297 : vector<512x128xi32>
      %broadcast_in_dim3A_299 = vector.shape_cast %get3A_8 : vector<128xi32> to vector<1x128xi32>
      %lt3A_300 = vector.broadcast %add3A_292 : vector<512x1xi32> to vector<512x128xi32>
      %lt3A_301 = vector.broadcast %broadcast_in_dim3A_299 : vector<1x128xi32> to vector<512x128xi32>
      %lt3A_302 = arith.cmpi slt, %lt3A_300, %lt3A_301 : vector<512x128xi32>
      %and3A_303 = arith.andi %ge3A_298, %lt3A_302 : vector<512x128xi1>
      %convert_element_type3A_304 = arith.extui %and3A_303 : vector<512x128xi1> to vector<512x128xi32>
      %convert_element_type3A_305 = arith.sitofp %convert_element_type3A_304 : vector<512x128xi32> to vector<512x128xf32>
      %convert_element_type3A_306 = arith.truncf %convert_element_type3A_305 : vector<512x128xf32> to vector<512x128xbf16>
      %convert_element_type3A_307 = arith.truncf %get3A_289 : vector<512x128xf32> to vector<512x128xbf16>
      %dot_general3A_308 = arith.constant dense<0.000000e+00> : vector<128x128xf32>
      %dot_general3A_309 = tpu.matmul %convert_element_type3A_306, %convert_element_type3A_307, %dot_general3A_308 {dimension_numbers = #tpu.dot_dimension_numbers<[0], [0], [1], [1], [0, 1, 1, 1], [], []>, transpose_lhs_hint = false} : vector<512x128xbf16>, vector<512x128xbf16>, vector<128x128xf32> -> vector<128x128xf32>
      %add3A_310 = arith.addf %while3A_140, %dot_general3A_309 : vector<128x128xf32>
      %mul3A_311 = arith.constant 4 : i32
      %mul3A_312 = arith.muli %mul3A_311, %while3A_137 : i32
      %add3A_313 = arith.constant 3 : i32
      %add3A_314 = arith.addi %mul3A_312, %add3A_313 : i32
      %rem3A_315 = arith.constant 8 : i32
      %rem3A_316 = arith.remsi %add3A_314, %rem3A_315 : i32
      %mul3A_317 = arith.constant 512 : i32
      %mul3A_318 = arith.muli %add3A_314, %mul3A_317 : i32
      %add3A_319 = arith.addi %min3A_28, %mul3A_318 : i32
      %min3A_320 = arith.constant 319488 : i32
      %min3A_321 = arith.minsi %add3A_319, %min3A_320 : i32
      %rem3A_322 = arith.constant 8 : i32
      %rem3A_323 = arith.remsi %add3A_314, %rem3A_322 : i32
      %mul3A_324 = arith.constant 512 : i32
      %mul3A_325 = arith.muli %add3A_314, %mul3A_324 : i32
      %add3A_326 = arith.addi %min3A_28, %mul3A_325 : i32
      %min3A_327 = arith.constant 319488 : i32
      %min3A_328 = arith.minsi %add3A_326, %min3A_327 : i32
      %dma_wait3A_329 = tpu.memref_slice %arg6[%rem3A_323] : memref<8x!tpu.dma_semaphore, #tpu.memory_space<semaphore_mem>> -> memref<1x!tpu.dma_semaphore, #tpu.memory_space<semaphore_mem>>
      %dma_wait3A_330 = tpu.memref_squeeze %dma_wait3A_329 : memref<1x!tpu.dma_semaphore, #tpu.memory_space<semaphore_mem>> -> memref<!tpu.dma_semaphore, #tpu.memory_space<semaphore_mem>>
      %dma_wait3A_331 = arith.constant 0 : i32
      %dma_wait3A_332 = arith.constant 0 : i32
      %dma_wait3A_333 = tpu.memref_slice %arg5[%rem3A_323, %dma_wait3A_331, %dma_wait3A_332] : memref<8x512x128xf32, #tpu.memory_space<vmem>> -> memref<1x512x128xf32, #tpu.memory_space<vmem>>
      %dma_wait3A_334 = tpu.memref_squeeze %dma_wait3A_333 : memref<1x512x128xf32, #tpu.memory_space<vmem>> -> memref<512x128xf32, #tpu.memory_space<vmem>>
      %dma_wait3A_335 = arith.constant 0 : i32
      %dma_wait3A_336 = tpu.memref_slice %arg1[%min3A_328, %dma_wait3A_335] : memref<320000x128xf32, #tpu.memory_space<any>> -> memref<512x128xf32, #tpu.memory_space<any>>
      tpu.wait_dma2 semaphore(%dma_wait3A_330 : memref<!tpu.dma_semaphore, #tpu.memory_space<semaphore_mem>>) src(%dma_wait3A_336 : memref<512x128xf32, #tpu.memory_space<any>>) dst(%dma_wait3A_334 : memref<512x128xf32, #tpu.memory_space<vmem>>)
      %add3A_337 = arith.constant 6 : i32
      %add3A_338 = arith.addi %add3A_314, %add3A_337 : i32
      %lt3A_339 = arith.cmpi slt, %add3A_338, %mul3A_85 : i32
      %convert_element_type3A_340 = arith.extui %lt3A_339 : i1 to i32
      %cond3A_341 = arith.constant 0 : i32
      %cond3A_342 = arith.cmpi ne, %convert_element_type3A_340, %cond3A_341 : i32
      scf.if %cond3A_342 {
        %add3A_369 = arith.constant 6 : i32
        %add3A_370 = arith.addi %add3A_314, %add3A_369 : i32
        %rem3A_371 = arith.constant 8 : i32
        %rem3A_372 = arith.remsi %add3A_370, %rem3A_371 : i32
        %mul3A_373 = arith.constant 512 : i32
        %mul3A_374 = arith.muli %add3A_370, %mul3A_373 : i32
        %add3A_375 = arith.addi %min3A_28, %mul3A_374 : i32
        %min3A_376 = arith.constant 319488 : i32
        %min3A_377 = arith.minsi %add3A_375, %min3A_376 : i32
        %dma_start3A = tpu.memref_slice %arg6[%rem3A_372] : memref<8x!tpu.dma_semaphore, #tpu.memory_space<semaphore_mem>> -> memref<1x!tpu.dma_semaphore, #tpu.memory_space<semaphore_mem>>
        %dma_start3A_378 = tpu.memref_squeeze %dma_start3A : memref<1x!tpu.dma_semaphore, #tpu.memory_space<semaphore_mem>> -> memref<!tpu.dma_semaphore, #tpu.memory_space<semaphore_mem>>
        %dma_start3A_379 = arith.constant 0 : i32
        %dma_start3A_380 = arith.constant 0 : i32
        %dma_start3A_381 = tpu.memref_slice %arg5[%rem3A_372, %dma_start3A_379, %dma_start3A_380] : memref<8x512x128xf32, #tpu.memory_space<vmem>> -> memref<1x512x128xf32, #tpu.memory_space<vmem>>
        %dma_start3A_382 = tpu.memref_squeeze %dma_start3A_381 : memref<1x512x128xf32, #tpu.memory_space<vmem>> -> memref<512x128xf32, #tpu.memory_space<vmem>>
        %dma_start3A_383 = arith.constant 0 : i32
        %dma_start3A_384 = tpu.memref_slice %arg1[%min3A_377, %dma_start3A_383] : memref<320000x128xf32, #tpu.memory_space<any>> -> memref<512x128xf32, #tpu.memory_space<any>>
        tpu.enqueue_dma source(%dma_start3A_384 : memref<512x128xf32, #tpu.memory_space<any>>) target(%dma_start3A_382 : memref<512x128xf32, #tpu.memory_space<vmem>>) target_semaphore(%dma_start3A_378 : memref<!tpu.dma_semaphore, #tpu.memory_space<semaphore_mem>>)
      } else {
      }
      %get3A_343 = arith.index_cast %rem3A_316 : i32 to index
      %get3A_344 = arith.constant 0 : index
      %get3A_345 = arith.constant 0 : index
      %get3A_346 = vector.load %arg5[%get3A_343, %get3A_344, %get3A_345] : memref<8x512x128xf32, #tpu.memory_space<vmem>>, vector<1x512x128xf32>
      %get3A_347 = vector.shape_cast %get3A_346 : vector<1x512x128xf32> to vector<512x128xf32>
      %iota3A_348 = tpu.iota {dimensions = array<i32: 0>} : vector<512x1xi32>
      %add3A_349 = vector.broadcast %min3A_321 : i32 to vector<512x1xi32>
      %add3A_350 = arith.addi %add3A_349, %iota3A_348 : vector<512x1xi32>
      %max3A_351 = vector.broadcast %add3A_319 : i32 to vector<128xi32>
      %max3A_352 = arith.maxsi %get3A_3, %max3A_351 : vector<128xi32>
      %broadcast_in_dim3A_353 = vector.shape_cast %max3A_352 : vector<128xi32> to vector<1x128xi32>
      %ge3A_354 = vector.broadcast %add3A_350 : vector<512x1xi32> to vector<512x128xi32>
      %ge3A_355 = vector.broadcast %broadcast_in_dim3A_353 : vector<1x128xi32> to vector<512x128xi32>
      %ge3A_356 = arith.cmpi sge, %ge3A_354, %ge3A_355 : vector<512x128xi32>
      %broadcast_in_dim3A_357 = vector.shape_cast %get3A_8 : vector<128xi32> to vector<1x128xi32>
      %lt3A_358 = vector.broadcast %add3A_350 : vector<512x1xi32> to vector<512x128xi32>
      %lt3A_359 = vector.broadcast %broadcast_in_dim3A_357 : vector<1x128xi32> to vector<512x128xi32>
      %lt3A_360 = arith.cmpi slt, %lt3A_358, %lt3A_359 : vector<512x128xi32>
      %and3A_361 = arith.andi %ge3A_356, %lt3A_360 : vector<512x128xi1>
      %convert_element_type3A_362 = arith.extui %and3A_361 : vector<512x128xi1> to vector<512x128xi32>
      %convert_element_type3A_363 = arith.sitofp %convert_element_type3A_362 : vector<512x128xi32> to vector<512x128xf32>
      %convert_element_type3A_364 = arith.truncf %convert_element_type3A_363 : vector<512x128xf32> to vector<512x128xbf16>
      %convert_element_type3A_365 = arith.truncf %get3A_347 : vector<512x128xf32> to vector<512x128xbf16>
      %dot_general3A_366 = arith.constant dense<0.000000e+00> : vector<128x128xf32>
      %dot_general3A_367 = tpu.matmul %convert_element_type3A_364, %convert_element_type3A_365, %dot_general3A_366 {dimension_numbers = #tpu.dot_dimension_numbers<[0], [0], [1], [1], [0, 1, 1, 1], [], []>, transpose_lhs_hint = false} : vector<512x128xbf16>, vector<512x128xbf16>, vector<128x128xf32> -> vector<128x128xf32>
      %add3A_368 = arith.addf %while3A_141, %dot_general3A_367 : vector<128x128xf32>
      scf.yield %add3A_194, %add3A_252, %add3A_310, %add3A_368 : vector<128x128xf32>, vector<128x128xf32>, vector<128x128xf32>, vector<128x128xf32>
    }
    %add3A_124 = arith.addf %while3A_123#0, %while3A_123#1 : vector<128x128xf32>
    %add3A_125 = arith.addf %while3A_123#2, %while3A_123#3 : vector<128x128xf32>
    %add3A_126 = arith.addf %add3A_124, %add3A_125 : vector<128x128xf32>
    %sub3A_127 = arith.subi %get3A_8, %get3A_3 : vector<128xi32>
    %convert_element_type3A_128 = arith.sitofp %sub3A_127 : vector<128xi32> to vector<128xf32>
    %max3A_129 = arith.constant 1.000000e+00 : f32
    %max3A_130 = vector.broadcast %max3A_129 : f32 to vector<128xf32>
    %max3A_131 = arith.maximumf %convert_element_type3A_128, %max3A_130 : vector<128xf32>
    %broadcast_in_dim3A_132 = vector.shape_cast %max3A_131 : vector<128xf32> to vector<128x1xf32>
    %div3A_133 = vector.broadcast %broadcast_in_dim3A_132 : vector<128x1xf32> to vector<128x128xf32>
    %div3A_134 = arith.divf %add3A_126, %div3A_133 : vector<128x128xf32>
    %swap3A = arith.constant 0 : index
    %swap3A_135 = arith.constant 0 : index
    %swap3A_136 = vector.load %arg4[%swap3A, %swap3A_135] : memref<128x128xf32, #tpu.memory_space<vmem>>, vector<128x128xf32>
    tpu.vector_store %arg4[%swap3A, %swap3A_135], %div3A_134 {strides = array<i32>} : memref<128x128xf32, #tpu.memory_space<vmem>>, vector<128x128xf32>,
    return
  }
  func.func @transform_1(%arg0: i32) -> (i32, i32, i32) {
    %c0_i32 = arith.constant 0 : i32
    %c0_i32_0 = arith.constant 0 : i32
    %c0_i32_1 = arith.constant 0 : i32
    return %arg0, %c0_i32, %c0_i32_0 : i32, i32, i32
  }
  func.func @transform_2(%arg0: i32) -> (i32, i32, i32) {
    %c0_i32 = arith.constant 0 : i32
    %c0_i32_0 = arith.constant 0 : i32
    %c0_i32_1 = arith.constant 0 : i32
    return %arg0, %c0_i32, %c0_i32_0 : i32, i32, i32
  }
  func.func @transform_3(%arg0: i32) -> (i32, i32) {
    %c0_i32 = arith.constant 0 : i32
    %c0_i32_0 = arith.constant 0 : i32
    return %arg0, %c0_i32 : i32, i32
  }
}

</mosaic_0001>

<sc_bundles>
// kernel: kernel.4.cloned.1.call-start
scs
__scs_entry_jumppad:
0x0: {  	(pc) =	sbr.rel $0x88, $3  }
0x1: {  	(tag) =	ssettag $0x0;
	lr =	simm.s32 $0x1  }
0x2: {  	[smem:$0x3F9F] =	sst lr;
	_ =	strace $0xD0000000  }
0x3: {  	_ = 	snop  }
0x4: {  	_ = 	snop  }
0x5: {  	_ = 	snop  }
0x6: {  	_ = 	snop  }
0x7: {  	_ = 	snop  }
__scs_overlays_trampoline_lowered:
0x8: {  	[smem:$0x3FAE] =	sst s0  }
0x9: {  	[smem:$0x3FAF] =	sst s1  }
0xa: {  	[smem:$0x3FB0] =	sst s2  }
0xb: {  	[smem:$0x3FB1] =	sst s3  }
0xc: {  	[smem:$0x3FB2] =	sst s4  }
0xd: {  	[smem:$0x3FB3] =	sst s5  }
0xe: {  	[smem:$0x3FB4] =	sst s6  }
0xf: {  	[smem:$0x3FB5] =	sst s7  }
0x10: {  	[smem:$0x3FB6] =	sst s8  }
0x11: {  	[smem:$0x3FB7] =	sst s9;
	s0 =	simm.s32 @!p0 $0x0  }
0x12: {  	s1 =	sld [smem:$0x3F9D];
	s0 =	simm.s32 @p0 $0x1  }
0x13: {  	[smem:$0x3FB8] =	sst s0;
	s0 =	simm.s32 @!p1 $0x0  }
0x14: {  	s2 =	sld [smem:$0x3F9C];
	s0 =	simm.s32 @p1 $0x1  }
0x15: {  	[smem:$0x3FB9] =	sst s0;
	s0 =	simm.s32 @!p2 $0x0  }
0x16: {  	s3 =	sld [smem:$0x3FDB];
	s0 =	simm.s32 @p2 $0x1  }
0x17: {  	s4 =	simm.s32 $0x1BF5;
	[smem:$0x3FBB] =	sst s0  }
0x18: {  	s0 =	sld [smem:$0x3F9E];
	_ =	swait.ge [sflag:s4], $0x0  }
0x19: {  	s7 =	sld [smem:$0x3F9F]  }
0x1a: {  	s8 =	sadd.s32 $0xFFFFE003, lr  }
0x1b: {  	s9 =	sadd.s32 $0xFFFFFEF7, lr;
	s5 =	simm.s32 $0xFFFFFFFF;
	p2 =	slt.u32 s8, $0xFFFFF086  }
0x1c: {  	p1 =	slt.u32 s9, $0xF7A;
	s5 =	simm.s32 @!p2 $0x0  }
0x1d: {  	s5 =	simm.s32 @p1 $0x1;
	p0 =	seq.s32 s7, s2  }
0x1e: {  	s7 =	smul.u32 @!p0 $0xF7A, s2;
	p2 =	seq.s32 @!p0 s5, $0x0  }
0x1f: {  	s9 =	smul.u32 $0xF7A, s1;
	s8 =	simm.s32 @!p0 $0x1BF5;
	p2 =	por !p2, p0  }
0x20: {  	[sflag:s8] =	ssyncset.s32 @!p0 $0xFFFFF086;
	s6 =	sadd.s32 @!p0 s3, s7;
	s7 =	simm.s32 @!p0 $0x108  }
0x21: {  	s3 =	sadd.s32 s3, s9;
	s6 =	sadd.s32 @!p0 $0x88, s6;
	s7 =	simm.s32 @p2 $0x1082  }
0x22: {  	[simem:s7], [sflag:s8] =	dma.local @!p0 [hbm:s6], $0xF7A  }
0x23: {  	s9 =	sor.u32 $0xD0000000, s2;
	s6 =	simm.s32 $0x108;
	_ =	swait.ge @!p0 [sflag:s8], $0x0  }
0x24: {  	s3 =	sadd.s32 $0x88, s3;
	s6 =	simm.s32 @!p1 $0x1082;
	[sflag:s4] =	ssyncset.s32 $0xFFFFF086  }
0x25: {  	[simem:s6], [sflag:s4] =	dma.local [hbm:s3], $0xF7A  }
0x26: {  	[smem:$0x3F9F] =	sst s1;
	(tag) =	ssettag s2;
	_ =	strace s9  }
0x27: {  	s1 =	sld [smem:$0x3FAF]  }
0x28: {  	s2 =	sld [smem:$0x3FB0]  }
0x29: {  	s4 =	sld [smem:$0x3FB2]  }
0x2a: {  	p0 =	seq.s32 s5, $0x0;
	s5 =	sld [smem:$0x3FB3]  }
0x2b: {  	s6 =	sld [smem:$0x3FB4]  }
0x2c: {  	s7 =	sld [smem:$0x3FB5]  }
0x2d: {  	s3 =	simm.s32 $0x108;
	s8 =	sld [smem:$0x3FB6]  }
0x2e: {  	s3 =	simm.s32 @!p0 $0x1082;
	s9 =	sld [smem:$0x3FB7]  }
0x2f: {  	lr =	sadd.s32 s0, s3;
	s0 =	sld [smem:$0x3FAE]  }
0x30: {  	s3 =	sld [smem:$0x3FB1]  }
0x31: {  	[smem:$0x3FBA] =	sst s10  }
0x32: {  	s10 =	sld [smem:$0x3FB8];
	_ =	sdelay $0x3  }
0x33: {  	p0 =	seq.s32 s10, $0x1;
	s10 =	sld [smem:$0x3FBA];
	_ =	sdelay $0x3  }
0x34: {  	[smem:$0x3FBA] =	sst s10  }
0x35: {  	s10 =	sld [smem:$0x3FB9];
	_ =	sdelay $0x3  }
0x36: {  	p1 =	seq.s32 s10, $0x1;
	s10 =	sld [smem:$0x3FBA];
	_ =	sdelay $0x3  }
0x37: {  	[smem:$0x3FBA] =	sst s10  }
0x38: {  	s10 =	sld [smem:$0x3FBB]  }
0x39: {  	_ = 	snop;
	(pc) =	sbr.ind lr, $3  }
0x3a: {  	_ = 	snop  }
0x3b: {  	_ = 	snop  }
0x3c: {  	p2 =	seq.s32 s10, $0x1;
	s10 =	sld [smem:$0x3FBA]  }
0x3d: {  	_ =	shalt  }
0x3e: {  	_ =	shalt  }
0x3f: {  	_ =	shalt  }
0x40: {  	_ =	shalt  }
0x41: {  	_ =	shalt  }
0x42: {  	_ =	shalt  }
0x43: {  	_ =	shalt  }
0x44: {  	_ =	shalt  }
0x45: {  	_ =	shalt  }
0x46: {  	_ =	shalt  }
0x47: {  	_ =	shalt  }
0x48: {  	_ =	shalt  }
0x49: {  	_ =	shalt  }
0x4a: {  	_ =	shalt  }
0x4b: {  	_ =	shalt  }
0x4c: {  	_ =	shalt  }
0x4d: {  	_ =	shalt  }
0x4e: {  	_ =	shalt  }
0x4f: {  	_ =	shalt  }
0x50: {  	_ =	shalt  }
0x51: {  	_ =	shalt  }
0x52: {  	_ =	shalt  }
0x53: {  	_ =	shalt  }
0x54: {  	_ =	shalt  }
0x55: {  	_ =	shalt  }
0x56: {  	_ =	shalt  }
0x57: {  	_ =	shalt  }
0x58: {  	_ =	shalt  }
0x59: {  	_ =	shalt  }
0x5a: {  	_ =	shalt  }
0x5b: {  	_ =	shalt  }
0x5c: {  	_ =	shalt  }
0x5d: {  	_ =	shalt  }
0x5e: {  	_ =	shalt  }
0x5f: {  	_ =	shalt  }
0x60: {  	_ =	shalt  }
0x61: {  	_ =	shalt  }
0x62: {  	_ =	shalt  }
0x63: {  	_ =	shalt  }
0x64: {  	_ =	shalt  }
0x65: {  	_ =	shalt  }
0x66: {  	_ =	shalt  }
0x67: {  	_ =	shalt  }
0x68: {  	_ =	shalt  }
0x69: {  	_ =	shalt  }
0x6a: {  	_ =	shalt  }
0x6b: {  	_ =	shalt  }
0x6c: {  	_ =	shalt  }
0x6d: {  	_ =	shalt  }
0x6e: {  	_ =	shalt  }
0x6f: {  	_ =	shalt  }
0x70: {  	_ =	shalt  }
0x71: {  	_ =	shalt  }
0x72: {  	_ =	shalt  }
0x73: {  	_ =	shalt  }
0x74: {  	_ =	shalt  }
0x75: {  	_ =	shalt  }
0x76: {  	_ =	shalt  }
0x77: {  	_ =	shalt  }
0x78: {  	_ =	shalt  }
0x79: {  	_ =	shalt  }
0x7a: {  	_ =	shalt  }
0x7b: {  	_ =	shalt  }
0x7c: {  	_ =	shalt  }
0x7d: {  	_ =	shalt  }
0x7e: {  	_ =	shalt  }
0x7f: {  	_ =	shalt  }
0x80: {  	_ =	shalt  }
0x81: {  	_ =	shalt  }
0x82: {  	_ =	shalt  }
0x83: {  	_ =	shalt  }
0x84: {  	_ =	shalt  }
0x85: {  	_ =	shalt  }
0x86: {  	_ =	shalt  }
0x87: {  	_ =	shalt  }
.Lfunc_end0:
.L_simem_size_0:
called_computation_lowered:
.L_overlay_start_0:
0x88: {  	s2 =	sld [smem:$0x3FD9]  }
0x89: {  	s3 =	sld [smem:$0x3FFE];
	_ =	sdelay $0x1  }
0x8a: {  	s1 =	srdreg.scid  }
0x8b: {  	s0 =	sand.u32 $0x1, s1  }
0x8c: {  	s17 =	sshll.u32 s0, $0xA;
	s2 =	sadd.s32 s3, s2  }
0x8d: {  	s2 =	sadd.s32 s2, s17  }
0x8e: {  	[smem:$0x3FC6] =	sst s2  }
0x8f: {  	_ = 	snop  }
0x90: {  	s2 =	sld [smem:$0x3FC9]  }
0x91: {  	s18 =	sld [smem:$0x3FC8];
	(tm) =	ssettm $0x1  }
0x92: {  	s4 =	sld [smem:$0x3FFB];
	_ =	sdelay $0x3  }
0x93: {  	_ =	strace s4  }
0x94: {  	s4 =	sld [smem:$0x3FFC];
	_ =	sdelay $0x3  }
0x95: {  	_ =	strace s4  }
0x96: {  	s4 =	sld [smem:$0x3FFD];
	_ =	sdelay $0x3  }
0x97: {  	_ =	strace s4  }
0x98: {  	_ =	strace $0x8FFFFFFF  }
0x99: {  	s19 =	sld [smem:$0x3FDB];
	_ =	sdelay $0x1  }
0x9a: {  	s5 =	simm.s32 $_scs_section_size  }
0x9b: {  	s6 =	simm.s32 $_size__tile_overlayer_lowered;
	s7 =	simm.s32 $_tile_overlayer_lowered  }
0x9c: {  	s22 =	simm.s32 $0x1BFF;
	s21 =	sshll.u32 s7, $0x1;
	s4 =	sadd.s32 s5, s19  }
0x9d: {  	s8 =	simm.s32 $0x0;
	s20 =	sshll.u32 s6, $0x1;
	s6 =	sadd.s32 s21, s4  }
0x9e: {  	[timem:s8], [sflag:s22] =	dma.local [hbm:s6], s20  }
0x9f: {  	_ =	swait.ge [sflag:s22], s20  }
0xa0: {  	s5 =	ssub.s32 $0x0, s20;
	[sflag:s22] =	ssyncset.done $0x0  }
0xa1: {  	[sflag:s22] =	ssyncadd.s32 s5;
	_ =	sdelay $0x1  }
0xa2: {  	s23 =	simm.s32 $0x1B8B  }
0xa3: {  	_ =	swait.ge [sflag:s23], $0x1  }
0xa4: {  	[sflag:s23] =	ssyncset.done $0x0  }
0xa5: {  	s25 =	simm.s32 $0x1B8E;
	s24 =	sld [smem:$0x3FFE];
	[sflag:s23] =	ssyncadd.s32 $0xFFFFFFFF  }
0xa6: {  	s26 =	simm.s32 $execute0_lowered;
	[smem:$0x3FD2] =	sst s25  }
0xa7: {  	s6 =	sshll.u32 s26, $0x1;
	_ =	strace $0x80000046;
	[dreg:$0x1] =	wrdreg $0xFFFFFFFF  }
0xa8: {  	s28 =	simm.s32 $_size_execute0_lowered;
	s4 =	sadd.s32 s4, s6;
	[dreg:$0x0] =	wrdreg $0x0  }
0xa9: {  	s6 =	sshll.u32 s28, $0x1;
	[dreg:$0x2] =	wrdreg s4  }
0xaa: {  	[dreg:$0x3] =	wrdreg s6  }
0xab: {  	[dreg:$0x4] =	wrdreg $0xC0  }
0xac: {  	_ =	task [dreg:s8], $0x5FFFF  }
0xad: {  	[dreg:$0x1] =	wrdreg $0xFFFFFFFF  }
0xae: {  	[dreg:$0x0] =	wrdreg $0x60  }
0xaf: {  	[dreg:$0x2] =	wrdreg s2  }
0xb0: {  	[dreg:$0x3] =	wrdreg s18  }
0xb1: {  	[dreg:$0x4] =	wrdreg s24  }
0xb2: {  	[dreg:$0x5] =	wrdreg $0x9  }
0xb3: {  	_ =	task.clear_ibuf [dreg:s8], $0x6FFFF;
	_ =	strace $0x90000046  }
0xb4: {  	s29 =	simm.s32 $0x9;
	_ =	strace $0x80000048  }
0xb5: {  	_ =	swait.ge [sflag:s29], $0x1  }
0xb6: {  	[sflag:s29] =	ssyncadd.s32 $0xFFFFFFFF  }
0xb7: {  	_ =	strace $0x90000048  }
0xb8: {  	_ =	sfence  }
0xb9: {  	s30 =	sld [smem:$0x0];
	_ =	sdelay $0x2  }
0xba: {  	s31 =	sshll.u32 s1, $0xD;
	s1 =	sshrl.u32 s1, $0x2  }
0xbb: {  	s3 =	sand.u32 $0x4000, s31;
	s1 =	sadd.s32 s1, s30  }
0xbc: {  	s0 =	sor.u32 s3, s0;
	s1 =	sshll.u32 s1, $0x11  }
0xbd: {  	s0 =	sor.u32 s1, s0  }
0xbe: {  	s0 =	sadd.s32 $0x8F2B, s0  }
0xbf: {  	[sflag:s0] =	ssyncadd.remote.s32 $0x1  }
0xc0: {  	_ =	sfence.sel $0xFFFF  }
0xc1: {  	[dreg:$0x0] =	wrdreg $0xFFFFFFFF;
	(pc) =	sbr.abs _section_cstart, $3  }
0xc2: {  	[dreg:$0x1] =	wrdreg $0xFFFFFFFF  }
0xc3: {  	_ =	task.clear_ibuf [dreg:s8], $0x2FFFF;
	_ =	strace $0x9FFFFFFF  }
0xc4: {  	(tm) =	ssettm $0x7FFFFFFF  }
0xc5: {  	_ =	shalt  }
tec
execute0_lowered:
.L_overlay_start_1:
0x0: {  	(tag) =	ssettag $0x1  }
0x1: {  	s0 =	srdreg.scid;
	s4 =	rddreg [dreg:$0x1]  }
0x2: {  	s11 =	stileid.u32;
	s6 =	rddreg [dreg:$0x2];
	s2 =	simm.s32 $0x0  }
0x3: {  	s9 =	simm.s32 $0x1;
	s3 =	sand.u32 $0x1, s0;
	s0 =	rddreg [dreg:$0x0]  }
0x4: {  	s10 =	simm.s32 $0x100;
	s1 =	sshll.u32 s11, $0x1;
	[smem:$0x7FF] =	sst s2  }
0x5: {  	p0 =	seq.s32 s11, $0x0;
	s1 =	sor.u32 s3, s1;
	s31 =	ssub.s32 $0x2, s3  }
0x6: {  	s3 =	simm.s32 $0xF0;
	s5 =	smul.u32 $0xE8, s1;
	s1 =	smin.u32 s1, $0x2  }
0x7: {  	s8 =	sshrl.u32 s31, $0x1;
	s3 =	simm.s32 @!p0 $0xE8;
	s7 =	sshll.u32 s1, $0x3  }
.Ltmp0:
0x8: {  	p0 =	sne.s32 s11, $0x0;
	s5 =	sadd.s32 s5, s7;
	(pc) =	sbr.rel .LBB2_1-.Ltmp0, $4  }
0x9: {  	s11 =	simm.s32 $0x0;
	s1 =	rddreg [dreg:$0x3];
	s7 =	sshll.u32 s5, $0x4  }
0xa: {  	_ =	strace $0x80000047;
	s5 =	sshrl.u32 s5, $0x3;
	s6 =	sadd.s32 s7, s6  }
0xb: {  	s7 =	ssub.s32 s31, s8;
	s4 =	sadd.s32 s4, s5;
	s5 =	sadd.s32 $0xFFFFFFFF, s3  }
0xc: {  	s8 =	simm.s32 $0x3;
	s6 =	sadd.s32 $0x800, s6;
	s7 =	smax.u32 s7, $0x1  }
.LBB2_7:
0xd: {  	s12 =	simm.s32 @p0 $0x0;
	s13 =	simm.s32 @p0 $0x14100  }
0xe: {  	[hbm4b:s6+s12] =	stream.linear.scatter @p0 [tilespmem:s13], [sflag:$0x3], $0x7400, $0x38;
	[tilespmem:$0x1B900] =	vst v63  }
0xf: {  	s12 =	simm.s32 @p0 $0x3  }
0x10: {  	_ =	swait.ge @p0 [sflag:s12], $0x7400  }
0x11: {  	s11 =	sadd.s32 $0x1, s11;
	s13 =	simm.s32 @!p0 $0x14100;
	[sflag:s12] =	ssyncset.done @p0 $0x0  }
0x12: {  	p1 =	sne.s32 s11, s7;
	[sflag:s12] =	ssyncadd.s32 @p0 $0xFFFF8C00;
	s12 =	simm.s32 @!p0 $0x0  }
0x13: {  	[hbm4b:s6+s12] =	stream.linear.scatter @!p0 [tilespmem:s13], [sflag:$0x3], $0x7800, $0x38;
	[tilespmem:$0x1B900] =	vst v63  }
.Ltmp1:
0x14: {  	_ = 	snop;
	(pc) =	sbr.rel @!p1 .LBB2_8-.Ltmp1, $4  }
0x15: {  	s12 =	simm.s32 @!p0 $0x3  }
0x16: {  	_ =	swait.ge @!p0 [sflag:s12], $0x7800  }
0x17: {  	[sflag:s12] =	ssyncset.done @!p0 $0x0  }
0x18: {  	[sflag:s12] =	ssyncadd.s32 @!p0 $0xFFFF8800  }
.LBB2_1:
0x19: {  	[tilespmem:s2], [sflag:$0x3] =	stream.linear.gather [hbm4b:s4+s2], $0x100, $0x38;
	[tilespmem:$0x1B900] =	vst v63  }
0x1a: {  	_ =	swait.ge [sflag:s8], $0x100  }
0x1b: {  	[sflag:s8] =	ssyncset.done $0x0  }
0x1c: {  	[sflag:s8] =	ssyncadd.s32 $0xFFFFFF00  }
0x1d: {  	v0 =	vld [tilespmem:$0x0];
	_ =	sdelay $0x4  }
0x1e: {  	(v2sf) =	vpush v0, $0x0;
	_ =	sdelay $0x3  }
0x1f: {  	v0 =	vld [tilespmem:s3+$0x0];
	_ =	sdelay $0x4  }
0x20: {  	(v2sf) =	vpush v0, $0x0;
	_ =	sdelay $0x5  }
0x21: {  	s20 =	spop (v2sf)  }
0x22: {  	s12 =	sand.u32 $0x7, s20  }
0x23: {  	s13 =	sshra.s32 s20, $0x1F;
	p1 =	slt.s32 s20, $0x1;
	p2 =	sne.s32 s12, $0x0  }
0x24: {  	s30 =	sshrl.u32 s13, $0x1D;
	p1 =	por !p1, !p2  }
0x25: {  	s13 =	simm.s32 $0x1;
	s12 =	sadd.s32 s30, s20;
	p1 =	por !p1, !p1  }
0x26: {  	s12 =	sshrl.u32 s12, $0x3;
	s13 =	simm.s32 @!p1 $0x0  }
0x27: {  	s12 =	ssub.s32 s12, s13  }
0x28: {  	s15 =	sshll.u32 s12, $0x3  }
0x29: {  	p1 =	slt.s32 s15, $0x4E0C0;
	s12 =	smov.u32 s15  }
0x2a: {  	s13 =	spop (v2sf);
	s12 =	simm.s32 @!p1 $0x4E0C0  }
0x2b: {  	s14 =	ssub.s32 s13, s12  }
0x2c: {  	s16 =	sadd.s32 $0x13F, s14  }
0x2d: {  	s17 =	smulhi.u32 $0x66666667, s16;
	s18 =	sshra.s32 s16, $0x1F  }
0x2e: {  	s18 =	smul.u32 $0x66666667, s18;
	_ =	sdelay $0x1  }
0x2f: {  	s17 =	sadd.s32 s18, s17  }
0x30: {  	s18 =	sshrl.u32 s17, $0x1F;
	s17 =	sshra.s32 s17, $0x7  }
0x31: {  	s31 =	sshll.u32 s12, $0x4;
	s14 =	ssub.s32 $0xFFFFFEC1, s14;
	s17 =	sadd.s32 s18, s17  }
0x32: {  	p5 =	slt.s32 s16, $0x1;
	s16 =	sadd.s32 s0, s31;
	s18 =	smul.u32 $0xFFFFFEC0, s17  }
0x33: {  	[tilespmem:s10], [sflag:$0x1] =	stream.linear.gather [hbm4b:s16+s2], $0xA000, $0x38;
	[tilespmem:$0x1B900] =	vst v63  }
0x34: {  	p6 =	sne.s32 s18, s14  }
0x35: {  	p1 =	por !p5, !p6  }
0x36: {  	s14 =	simm.s32 $0x1;
	p1 =	por !p1, !p1  }
0x37: {  	s14 =	simm.s32 @!p1 $0x0  }
0x38: {  	s14 =	ssub.s32 s17, s14  }
0x39: {  	p1 =	slt.s32 s14, $0x2  }
0x3a: {  	p2 =	slt.s32 @!p1 s15, $0x4DF80  }
0x3b: {  	p2 =	por !p2, p1  }
0x3c: {  	s15 =	simm.s32 @p2 $0x4DF80  }
0x3d: {  	s15 =	sshll.u32 @!p1 s15, $0x7  }
0x3e: {  	s15 =	sadd.s32 @!p1 $0xA000, s15  }
0x3f: {  	s16 =	simm.s32 @!p1 $0x0;
	s15 =	sshrl.u32 @!p1 s15, $0x3  }
.Ltmp2:
0x40: {  	s17 =	simm.s32 @!p1 $0xA100;
	s15 =	sadd.s32 @!p1 s0, s15;
	(pc) =	sbr.rel .LBB2_2-.Ltmp2, $4  }
0x41: {  	[tilespmem:s17], [sflag:$0x2] =	stream.linear.gather @!p1 [hbm4b:s15+s16], $0xA000, $0x38;
	[tilespmem:$0x1B900] =	vst v63  }
0x42: {  	v1 =	vimm.f32 $0.0e+00;
	v2 =	vimm.f32 $0.0e+00;
	s18 =	simm.s32 $0x0;
	p1 =	sgt.s32 s14, $0x1;
	_ =	swait.ge [sflag:s9], $0xA000  }
0x43: {  	v3 =	vimm.f32 $0.0e+00;
	v4 =	vimm.f32 $0.0e+00;
	v5 =	vimm.f32 $0.0e+00;
	s16 =	simm.s32 $0x0;
	s14 =	simm.s32 @!p1 $0x1;
	[sflag:s9] =	ssyncset.done $0x0  }
0x44: {  	v6 =	vimm.f32 $0.0e+00;
	v7 =	vimm.f32 $0.0e+00;
	v0 =	vimm.f32 $0.0e+00;
	s17 =	simm.s32 $0x0;
	s15 =	sadd.s32 s14, s5;
	[sflag:s9] =	ssyncadd.s32 $0xFFFF6000  }
.LBB2_5:
0x45: {  	v4 =	vadd.f32 v8, v4  }
0x46: {  	v3 =	vadd.f32 v9, v3;
	v2 =	vadd.f32 v10, v2  }
0x47: {  	v1 =	vadd.f32 v11, v1;
	v7 =	vadd.f32 v12, v7  }
.LBB2_6:
0x48: {  	p2 =	sgt.s32 s22, s21  }
0x49: {  	s20 =	ssub.s32 @!p2 s22, s23  }
0x4a: {  	p1 =	sgt.s32 @!p2 s20, $0x1  }
0x4b: {  	p1 =	por !p1, p2  }
0x4c: {  	s20 =	simm.s32 @p1 $0x1  }
0x4d: {  	s20 =	scvt.s32.f32 @!p2 s20;
	_ =	sdelay $0x1  }
0x4e: {  	v8 =	vmov @!p2 s20  }
0x4f: {  	(erf) = vrcp.f32 @!p2 v8;
	_ =	sdelay $0x8  }
0x50: {  	v8 =	vpop @!p2 (erf)  }
0x51: {  	s20 =	sshll.u32 @!p2 s16, $0x9;
	v9 =	vmul.f32 @!p2 v7, v8  }
0x52: {  	s20 =	sshra.s32 @!p2 s20, $0x2;
	v10 =	vmul.f32 @!p2 v6, v8  }
0x53: {  	p1 =	sle.s32 s22, s21;
	[tilespmem:s20+$0x14100] =	vst @!p2 v9;
	v9 =	vmul.f32 @!p2 v5, v8  }
0x54: {  	s21 =	sadd.s32 @!p1 $0x2, s18;
	[tilespmem:s20+$0x14110] =	vst @!p2 v10;
	v10 =	vmul.f32 @!p2 v4, v8  }
0x55: {  	s22 =	sadd.s32 $0x1, s18;
	p4 =	sge.s32 @!p1 s21, s14;
	[tilespmem:s20+$0x14120] =	vst @!p2 v9;
	v9 =	vmul.f32 @!p2 v3, v8  }
0x56: {  	s23 =	sshrl.u32 @!p1 s22, $0x1F;
	p3 =	por p4, p1;
	[tilespmem:s20+$0x14130] =	vst @!p2 v10;
	v10 =	vmul.f32 @!p2 v2, v8  }
0x57: {  	s23 =	sadd.s32 @!p1 s23, s22;
	s24 =	sshrl.u32 @!p3 s21, $0x1F;
	s25 =	smul.u32 @!p3 $0x140, s21;
	[tilespmem:s20+$0x14140] =	vst @!p2 v9;
	v9 =	vmul.f32 @!p2 v1, v8  }
0x58: {  	s17 =	sadd.s32 $0x1, s17;
	s23 =	sand.u32 @!p1 $0xFFFFFFFE, s23;
	s24 =	sadd.s32 @!p3 s24, s21;
	[tilespmem:s20+$0x14150] =	vst @!p2 v10;
	v8 =	vmul.f32 @!p2 v0, v8  }
0x59: {  	s23 =	ssub.s32 @!p1 s22, s23;
	s24 =	sand.u32 @!p3 $0xFFFFFFFE, s24;
	s25 =	sadd.s32 @!p3 s12, s25;
	[tilespmem:s20+$0x14160] =	vst @!p2 v9  }
0x5a: {  	s21 =	ssub.s32 @!p3 s21, s24;
	p5 =	slt.s32 @!p3 s25, $0x4E0C0;
	[tilespmem:s20+$0x14170] =	vst @!p2 v8;
	s20 =	sadd.s32 @!p1 $0x1, s23  }
0x5b: {  	s23 =	smul.u32 @!p3 $0x28000, s21;
	p2 =	por @!p1 !p5, p4;
	_ =	swait.ge @!p1 [sflag:s20], $0xA000  }
0x5c: {  	s24 =	simm.s32 @!p3 $0x0;
	p2 =	por !p2, p1;
	[sflag:s20] =	ssyncset.done @!p1 $0x0  }
0x5d: {  	s23 =	sshra.s32 @!p3 s23, $0x2;
	s25 =	simm.s32 @!p2 $0x4E0C0;
	p2 =	sne.s32 s17, s15  }
0x5e: {  	[sflag:s20] =	ssyncadd.s32 @!p1 $0xFFFF6000;
	s20 =	sor.u32 @!p3 $0x100, s23;
	s23 =	sshll.u32 @!p3 s25, $0x4  }
.Ltmp3:
0x5f: {  	s21 =	sadd.s32 @!p3 $0x1, s21;
	s23 =	sadd.s32 @!p3 s0, s23;
	(pc) =	sbr.rel @!p2 .LBB2_7-.Ltmp3, $4  }
0x60: {  	[tilespmem:s20], [sflag:s21] =	stream.linear.gather @!p3 [hbm4b:s23+s24], $0xA000, $0x38;
	[tilespmem:$0x1B900] =	vst v63  }
0x61: {  	v7 =	vpsel p1, $0x0, v7;
	v6 =	vpsel p1, $0x0, v6;
	s20 =	simm.s32 $0x1  }
0x62: {  	s22 =	smov.u32 @p1 s18;
	v5 =	vpsel p1, $0x0, v5;
	v4 =	vpsel p1, $0x0, v4;
	v3 =	vpsel p1, $0x0, v3;
	s20 =	simm.s32 @!p1 $0x0  }
0x63: {  	s18 =	smov.u32 s22;
	v2 =	vpsel p1, $0x0, v2;
	v1 =	vpsel p1, $0x0, v1;
	v0 =	vpsel p1, $0x0, v0;
	s16 =	sadd.s32 s20, s16;
	s20 =	smov.u32 s19  }
.LBB2_2:
0x64: {  	v8 =	vld [tilespmem:s16+$0x0];
	_ =	sdelay $0x4  }
0x65: {  	(v2sf) =	vpush v8, $0x0  }
0x66: {  	(v2sf) =	vpush v8, $0x1;
	_ =	sdelay $0x9  }
0x67: {  	s19 =	smul.u32 $0x140, s18;
	_ =	sdelay $0x1  }
0x68: {  	s24 =	sadd.s32 s12, s19  }
0x69: {  	s21 =	sadd.s32 $0x140, s24  }
0x6a: {  	p1 =	slt.s32 s13, s21;
	s23 =	spop (v2sf)  }
0x6b: {  	s21 =	smov.u32 @p1 s13;
	s22 =	spop (v2sf)  }
0x6c: {  	s19 =	smov.u32 s21;
	p1 =	slt.s32 s22, s21  }
0x6d: {  	s19 =	smov.u32 @p1 s22  }
0x6e: {  	p1 =	sge.s32 s20, s19  }
.Ltmp4:
0x6f: {  	_ = 	snop;
	(pc) =	sbr.rel @p1 .LBB2_6-.Ltmp4, $1  }
0x70: {  	_ =	sdelay $0x3  }
0x71: {  	s25 =	sshrl.u32 s18, $0x1F  }
0x72: {  	s25 =	sadd.s32 s25, s18  }
0x73: {  	s25 =	sand.u32 $0x1FFFE, s25  }
0x74: {  	s25 =	ssub.s32 s18, s25  }
0x75: {  	p1 =	slt.s32 s24, $0x4E0C0;
	s25 =	smul.u32 $0x28000, s25  }
0x76: {  	s26 =	sshll.u32 s20, $0x9;
	s24 =	simm.s32 @!p1 $0x4E0C0  }
0x77: {  	s24 =	sshll.u32 s24, $0x9;
	s25 =	sadd.s32 s26, s25  }
0x78: {  	s24 =	ssub.s32 s25, s24  }
0x79: {  	s24 =	sshra.s32 s24, $0x2  }
0x7a: {  	s24 =	sadd.s32 $0x140, s24  }
0x7b: {  	v11 =	vld [tilespmem:s24+$0x30]  }
0x7c: {  	v12 =	vld [tilespmem:s24+$0xFFFFFFD0]  }
0x7d: {  	s31 =	ssub.s32 s20, s19;
	v13 =	vld [tilespmem:s24+$0xFFFFFFE0]  }
0x7e: {  	s20 =	sadd.s32 $0x1, s31;
	v8 =	vld [tilespmem:s24+$0xFFFFFFF0]  }
0x7f: {  	p1 =	seq.s32 s20, $0x0;
	v9 =	vld [tilespmem:s24+$0x0]  }
.Ltmp5:
0x80: {  	v10 =	vld [tilespmem:s24+$0x10];
	(pc) =	sbr.rel @p1 .LBB2_5-.Ltmp5, $3  }
0x81: {  	v0 =	vadd.f32 v11, v0;
	v11 =	vld [tilespmem:s24+$0x20]  }
0x82: {  	v6 =	vadd.f32 v12, v6;
	v12 =	vld [tilespmem:s24+$0xFFFFFFC0];
	_ =	sdelay $0x1  }
0x83: {  	v5 =	vadd.f32 v13, v5;
	s24 =	sadd.s32 $0x80, s24  }
.LBB2_4:
0x84: {  	v13 =	vld [tilespmem:s24+$0x30];
	s20 =	sadd.s32 $0x1, s20;
	v4 =	vadd.f32 v8, v4  }
0x85: {  	v3 =	vadd.f32 v9, v3;
	v14 =	vld [tilespmem:s24+$0xFFFFFFD0];
	p1 =	seq.s32 s20, $0x0  }
0x86: {  	v2 =	vadd.f32 v10, v2;
	v15 =	vld [tilespmem:s24+$0xFFFFFFE0]  }
.Ltmp6:
0x87: {  	v1 =	vadd.f32 v11, v1;
	v8 =	vld [tilespmem:s24+$0xFFFFFFF0];
	(pc) =	sbr.rel @!p1 .LBB2_4-.Ltmp6, $4  }
0x88: {  	v7 =	vadd.f32 v12, v7;
	v9 =	vld [tilespmem:s24+$0x0]  }
0x89: {  	v10 =	vld [tilespmem:s24+$0x10];
	v0 =	vadd.f32 v13, v0  }
0x8a: {  	v6 =	vadd.f32 v14, v6;
	v11 =	vld [tilespmem:s24+$0x20]  }
0x8b: {  	v12 =	vld [tilespmem:s24+$0xFFFFFFC0];
	v5 =	vadd.f32 v15, v5;
	s24 =	sadd.s32 $0x80, s24  }
.Ltmp7:
0x8c: {  	_ = 	snop;
	(pc) =	sbr.rel .LBB2_5-.Ltmp7, $1  }
0x8d: {  	_ =	sdelay $0x3  }
.LBB2_8:
0x8e: {  	_ =	sfence.sel $0x180000  }
0x8f: {  	[bflag:$0x0] =	sbarrier.arrive $0xFFFF  }
0x90: {  	_ =	strace $0x90000047  }
0x91: {  	s0 =	sadd.s32 @!p0 $0x100000, s1;
	[bflag:$0x2] =	sbarrier.arrive $0xFFFF  }
0x92: {  	[sflag:s0] =	ssyncadd.tile.s32 @!p0 $0x1;
	_ =	shalt  }
.Lfunc_end2:
_tile_overlayer_lowered:
.L_overlay_start_2:
0x93: {  	(tag) =	ssettag $0x2  }
0x94: {  	s0 =	rddreg [dreg:$0x0];
	s2 =	stileid.u32  }
0x95: {  	s1 =	rddreg [dreg:$0x1];
	p0 =	sne.s32 s2, $0x0  }
0x96: {  	s3 =	rddreg [dreg:$0x2];
	[bflag:$0x3] =	sbarrier.arrive $0xFFFF;
	s2 =	simm.s32 @!p0 $0x1C03  }
0x97: {  	[timem:s3], [sflag:s2] =	dma.local @!p0 [hbm:s0], s1  }
0x98: {  	s0 =	simm.s32 @!p0 $0x3  }
0x99: {  	_ =	swait.ge @!p0 [sflag:s0], s1  }
0x9a: {  	s1 =	ssub.s32 @!p0 $0x0, s1;
	[sflag:s0] =	ssyncset.done @!p0 $0x0  }
0x9b: {  	[sflag:s0] =	ssyncadd.s32 @!p0 s1  }
0x9c: {  	[bflag:$0x3] =	sbarrier.arrive $0xFFFF  }
0x9d: {  	_ =	shalt  }

</sc_bundles>
